<compile_context>
chip_gen: v7x
topology: tpu7x:2x2x1
jax: 0.10.2.dev20260603
libtpu: 0.0.44.dev20260713+nightly
codegen_flags: <defaults>
</compile_context>

<pallas_src>
import functools

import jax
import jax.numpy as jnp
from jax import lax
from jax.experimental import pallas as pl
from jax.experimental.pallas import tpu as pltpu
from jax.experimental.pallas import tpu_sc as plsc

_NC, _NS, _LANES = 2, 16, 16


def _gc_kernel(freqs_ref, gc_ref):
    f = freqs_ref[...]
    g = f.shape[0]
    ones = jnp.ones((1, g), jnp.float32)
    gcx = lax.dot_general(ones, f, (((1,), (1,)), ((), ())),
                          preferred_element_type=jnp.float32)
    gcy = lax.dot_general(ones, f, (((1,), (0,)), ((), ())),
                          preferred_element_type=jnp.float32)
    gc_ref[...] = jnp.concatenate([gcx, gcy], axis=0)


def _compute_gc(freqs):
    g = freqs.shape[0]
    return pl.pallas_call(
        _gc_kernel,
        out_shape=jax.ShapeDtypeStruct((2, g), jnp.float32),
    )(freqs)


def _sc_gather(idx0, idx1, gc):
    b, l = idx0.shape
    g = gc.shape[1]
    nw = _NC * _NS
    bpw = b // nw
    chunks = l // _LANES
    mesh = plsc.VectorSubcoreMesh(core_axis_name="c", subcore_axis_name="s",
                                  num_cores=_NC, num_subcores=_NS)

    @functools.partial(
        pl.kernel,
        out_type=jax.ShapeDtypeStruct((b, l), jnp.float32),
        mesh=mesh,
        compiler_params=pltpu.CompilerParams(needs_layout_passes=False),
        scratch_types=[
            pltpu.VMEM((g,), jnp.float32),
            pltpu.VMEM((g,), jnp.float32),
            pltpu.VMEM((bpw, l), jnp.int32),
            pltpu.VMEM((bpw, l), jnp.int32),
            pltpu.VMEM((bpw, l), jnp.float32),
            pltpu.SemaphoreType.DMA,
            pltpu.SemaphoreType.DMA,
        ],
    )
    def run(idx0_hbm, idx1_hbm, gc_hbm, out_hbm, gcx_v, gcy_v, i0_v, i1_v,
            f_v, sem_in, sem_out):
        wid = lax.axis_index("s") * _NC + lax.axis_index("c")
        base = wid * bpw
        cps = [pltpu.async_copy(gc_hbm.at[0], gcx_v, sem_in),
               pltpu.async_copy(gc_hbm.at[1], gcy_v, sem_in)]
        for j in range(bpw):
            cps.append(pltpu.async_copy(idx0_hbm.at[base + j], i0_v.at[j], sem_in))
            cps.append(pltpu.async_copy(idx1_hbm.at[base + j], i1_v.at[j], sem_in))
        for c in cps:
            c.wait()
        out_cps = []
        for j in range(bpw):
            def body(c, carry, j=j):
                off = c * _LANES
                v0 = i0_v[j, pl.ds(off, _LANES)]
                v1 = i1_v[j, pl.ds(off, _LANES)]
                fx = plsc.load_gather(gcx_v, [v0])
                fy = plsc.load_gather(gcy_v, [v1])
                f_v[j, pl.ds(off, _LANES)] = fx + fy
                return carry

            lax.fori_loop(0, chunks, body, 0, unroll=4)
            out_cps.append(pltpu.async_copy(f_v.at[j], out_hbm.at[base + j],
                                            sem_out))
        for c in out_cps:
            c.wait()

    return run(idx0, idx1, gc)


_BB = 2


def _pool_kernel(len_ref, freq_ref, feat_ref, out_ref):
    i = pl.program_id(0)
    bb, _, l = freq_ref.shape
    pos = lax.broadcasted_iota(jnp.int32, (1, l), 1)
    accs = []
    for k in range(bb):
        n = len_ref[i * bb + k]
        w = jnp.where(pos < n, 1.0 / freq_ref[k], 0.0)
        s = jnp.sum(w)
        acc = jnp.dot(w, feat_ref[k], preferred_element_type=jnp.float32)
        accs.append(acc / s)
    out_ref[0] = jnp.concatenate(accs, axis=0)


def _pool(lengths, freq, feat):
    b, l, d = feat.shape
    bb = _BB
    grid_spec = pltpu.PrefetchScalarGridSpec(
        num_scalar_prefetch=1,
        grid=(b // bb,),
        in_specs=[
            pl.BlockSpec((bb, 1, l), lambda i, *_: (i, 0, 0)),
            pl.BlockSpec((bb, l, d), lambda i, *_: (i, 0, 0)),
        ],
        out_specs=pl.BlockSpec((1, bb, d), lambda i, *_: (i, 0, 0)),
    )
    return pl.pallas_call(
        _pool_kernel,
        grid_spec=grid_spec,
        out_shape=jax.ShapeDtypeStruct((b // bb, bb, d), jnp.float32),
    )(lengths, freq.reshape(b, 1, l), feat).reshape(b, d)


def kernel(input_feature, input_lengths, vq_indices, freqs):
    feat = input_feature[:, -1]
    idx0 = vq_indices[:, :, 0]
    idx1 = vq_indices[:, :, 1]
    gc = _compute_gc(freqs)
    freq = _sc_gather(idx0, idx1, gc)
    return _pool(input_lengths, freq, feat)

# --- scband reference (transcript-rebuilt; emitter-appended) ---
"""Pipeline reference for scband-vqglobal-prob-avg-pool-71829033058532 (READ-ONLY COPY).

The authoritative reference and input builder live on the scoring server;
editing this copy changes nothing except your own understanding.
"""

import jax, jax.numpy as jnp
import numpy as np

B, NL, L, D, G = 64, 1, 1024, 768, 320

def setup_inputs(seed: int = 0) -> dict:
    key = jax.random.key(seed)
    k1, k2, k3, k4 = jax.random.split(key, 4)
    input_feature = jax.random.normal(k1, (B, NL, L, D), dtype=jnp.float32)
    # lengths in [L//2, L] to avoid degenerate zero-length utterances
    input_lengths = jax.random.randint(k2, (B,), L // 2, L + 1, dtype=jnp.int32)
    vq_indices = jax.random.randint(k3, (B, L, 2), 0, G, dtype=jnp.int32)
    # global co-occurrence frequency table (buffer loaded from freq.pt in torch);
    # strictly positive so 1/freq is finite
    freqs = jax.random.uniform(k4, (G, G), minval=1.0, maxval=1000.0, dtype=jnp.float32)
    return {
        'input_feature': input_feature,
        'input_lengths': input_lengths,
        'vq_indices': vq_indices,
        'freqs': freqs,
    }

def reference(input_feature, input_lengths, vq_indices, freqs):
    # input_feature: [B, N, L, D]; take last layer, as in torch: input_feature[:, -1:]
    feat = input_feature[:, -1, :, :]  # [B, L, D]
    Bc, Lc, Dc = feat.shape
    global_count_x = freqs.sum(axis=1)  # [G]
    global_count_y = freqs.sum(axis=0)  # [G]
    # gather per-token frequencies (SparseCore-friendly gathers)
    freq_x = jnp.take(global_count_x, vq_indices[:, :, 0], axis=0)  # [B, L]
    freq_y = jnp.take(global_count_y, vq_indices[:, :, 1], axis=0)  # [B, L]
    freq = freq_x + freq_y  # [B, L]
    # valid-position mask replicates the per-utterance [:input_lengths[i]] slicing
    mask = jnp.arange(Lc, dtype=jnp.int32)[None, :] < input_lengths[:, None]  # [B, L]
    prob = jnp.where(mask, 1.0 / freq, 0.0)
    factor = prob / prob.sum(axis=1, keepdims=True)  # [B, L], zeros on padding
    outputs = (feat * factor[:, :, None]).sum(axis=1)  # [B, D]
    return outputs

if __name__ == "__main__":
    import jax
    _d = setup_inputs()
    print(jax.jit(kernel)(*tuple(_d.values())))

</pallas_src>

<mosaic_0001>
#map = affine_map<(d0, d1) -> (0, 0)>
module attributes {stable_mosaic.version = 14 : i64} {
  func.func @run(%arg0: i32, %arg1: i32, %arg2: memref<64x1024xi32, #tpu.memory_space<hbm>>, %arg3: memref<64x1024xi32, #tpu.memory_space<hbm>>, %arg4: memref<2x320xf32, #tpu.memory_space<hbm>>, %arg5: memref<64x1024xf32, #tpu.memory_space<hbm>>, %arg6: memref<320xf32, #tpu.memory_space<vmem>>, %arg7: memref<320xf32, #tpu.memory_space<vmem>>, %arg8: memref<2x1024xi32, #tpu.memory_space<vmem>>, %arg9: memref<2x1024xi32, #tpu.memory_space<vmem>>, %arg10: memref<2x1024xf32, #tpu.memory_space<vmem>>, %arg11: memref<!tpu.dma_semaphore, #tpu.memory_space<semaphore_mem>>, %arg12: memref<!tpu.dma_semaphore, #tpu.memory_space<semaphore_mem>>) attributes {dimension_semantics = [#tpu.dimension_semantics<core_parallel>, #tpu.dimension_semantics<subcore_parallel>], iteration_bounds = array<i64: 2, 16>, scalar_prefetch = 0 : i64, scratch_operands = 7 : i64, tpu.core_type = #tpu.core_type<sc_vector_subcore>, window_params = [{transform_indices = #map}, {transform_indices = #map}, {transform_indices = #map}, {transform_indices = #map}]} {
    %mul3A = arith.constant 2 : i32
    %mul3A_0 = arith.muli %arg1, %mul3A : i32
    %add3A = arith.addi %mul3A_0, %arg0 : i32
    %mul3A_1 = arith.constant 2 : i32
    %mul3A_2 = arith.muli %add3A, %mul3A_1 : i32
    %dma_start3A = arith.constant 0 : i32
    %dma_start3A_3 = arith.constant 0 : i32
    %dma_start3A_4 = tpu.memref_slice %arg4[%dma_start3A, %dma_start3A_3] : memref<2x320xf32, #tpu.memory_space<hbm>> -> memref<1x320xf32, #tpu.memory_space<hbm>>
    %dma_start3A_5 = tpu.memref_squeeze %dma_start3A_4 : memref<1x320xf32, #tpu.memory_space<hbm>> -> memref<320xf32, #tpu.memory_space<hbm>>
    %dma_start3A_6 = arith.constant 0 : i32
    %dma_start3A_7 = tpu.memref_slice %arg4[%dma_start3A, %dma_start3A_6] : memref<2x320xf32, #tpu.memory_space<hbm>> -> memref<1x320xf32, #tpu.memory_space<hbm>>
    %dma_start3A_8 = tpu.memref_squeeze %dma_start3A_7 : memref<1x320xf32, #tpu.memory_space<hbm>> -> memref<320xf32, #tpu.memory_space<hbm>>
    tpu.enqueue_dma source(%dma_start3A_8 : memref<320xf32, #tpu.memory_space<hbm>>) target(%arg6 : memref<320xf32, #tpu.memory_space<vmem>>) target_semaphore(%arg11 : memref<!tpu.dma_semaphore, #tpu.memory_space<semaphore_mem>>)
    %dma_start3A_9 = arith.constant 1 : i32
    %dma_start3A_10 = arith.constant 0 : i32
    %dma_start3A_11 = tpu.memref_slice %arg4[%dma_start3A_9, %dma_start3A_10] : memref<2x320xf32, #tpu.memory_space<hbm>> -> memref<1x320xf32, #tpu.memory_space<hbm>>
    %dma_start3A_12 = tpu.memref_squeeze %dma_start3A_11 : memref<1x320xf32, #tpu.memory_space<hbm>> -> memref<320xf32, #tpu.memory_space<hbm>>
    %dma_start3A_13 = arith.constant 0 : i32
    %dma_start3A_14 = tpu.memref_slice %arg4[%dma_start3A_9, %dma_start3A_13] : memref<2x320xf32, #tpu.memory_space<hbm>> -> memref<1x320xf32, #tpu.memory_space<hbm>>
    %dma_start3A_15 = tpu.memref_squeeze %dma_start3A_14 : memref<1x320xf32, #tpu.memory_space<hbm>> -> memref<320xf32, #tpu.memory_space<hbm>>
    tpu.enqueue_dma source(%dma_start3A_15 : memref<320xf32, #tpu.memory_space<hbm>>) target(%arg7 : memref<320xf32, #tpu.memory_space<vmem>>) target_semaphore(%arg11 : memref<!tpu.dma_semaphore, #tpu.memory_space<semaphore_mem>>)
    %add3A_16 = arith.constant 0 : i32
    %add3A_17 = arith.addi %mul3A_2, %add3A_16 : i32
    %dma_start3A_18 = arith.constant 0 : i32
    %dma_start3A_19 = arith.constant 0 : i32
    %dma_start3A_20 = tpu.memref_slice %arg8[%dma_start3A_18, %dma_start3A_19] : memref<2x1024xi32, #tpu.memory_space<vmem>> -> memref<1x1024xi32, #tpu.memory_space<vmem>>
    %dma_start3A_21 = tpu.memref_squeeze %dma_start3A_20 : memref<1x1024xi32, #tpu.memory_space<vmem>> -> memref<1024xi32, #tpu.memory_space<vmem>>
    %dma_start3A_22 = arith.constant 0 : i32
    %dma_start3A_23 = tpu.memref_slice %arg2[%add3A_17, %dma_start3A_22] : memref<64x1024xi32, #tpu.memory_space<hbm>> -> memref<1x1024xi32, #tpu.memory_space<hbm>>
    %dma_start3A_24 = tpu.memref_squeeze %dma_start3A_23 : memref<1x1024xi32, #tpu.memory_space<hbm>> -> memref<1024xi32, #tpu.memory_space<hbm>>
    %dma_start3A_25 = arith.constant 0 : i32
    %dma_start3A_26 = tpu.memref_slice %arg8[%dma_start3A_18, %dma_start3A_25] : memref<2x1024xi32, #tpu.memory_space<vmem>> -> memref<1x1024xi32, #tpu.memory_space<vmem>>
    %dma_start3A_27 = tpu.memref_squeeze %dma_start3A_26 : memref<1x1024xi32, #tpu.memory_space<vmem>> -> memref<1024xi32, #tpu.memory_space<vmem>>
    %dma_start3A_28 = arith.constant 0 : i32
    %dma_start3A_29 = tpu.memref_slice %arg2[%add3A_17, %dma_start3A_28] : memref<64x1024xi32, #tpu.memory_space<hbm>> -> memref<1x1024xi32, #tpu.memory_space<hbm>>
    %dma_start3A_30 = tpu.memref_squeeze %dma_start3A_29 : memref<1x1024xi32, #tpu.memory_space<hbm>> -> memref<1024xi32, #tpu.memory_space<hbm>>
    tpu.enqueue_dma source(%dma_start3A_30 : memref<1024xi32, #tpu.memory_space<hbm>>) target(%dma_start3A_27 : memref<1024xi32, #tpu.memory_space<vmem>>) target_semaphore(%arg11 : memref<!tpu.dma_semaphore, #tpu.memory_space<semaphore_mem>>)
    %add3A_31 = arith.constant 0 : i32
    %add3A_32 = arith.addi %mul3A_2, %add3A_31 : i32
    %dma_start3A_33 = arith.constant 0 : i32
    %dma_start3A_34 = arith.constant 0 : i32
    %dma_start3A_35 = tpu.memref_slice %arg9[%dma_start3A_33, %dma_start3A_34] : memref<2x1024xi32, #tpu.memory_space<vmem>> -> memref<1x1024xi32, #tpu.memory_space<vmem>>
    %dma_start3A_36 = tpu.memref_squeeze %dma_start3A_35 : memref<1x1024xi32, #tpu.memory_space<vmem>> -> memref<1024xi32, #tpu.memory_space<vmem>>
    %dma_start3A_37 = arith.constant 0 : i32
    %dma_start3A_38 = tpu.memref_slice %arg3[%add3A_32, %dma_start3A_37] : memref<64x1024xi32, #tpu.memory_space<hbm>> -> memref<1x1024xi32, #tpu.memory_space<hbm>>
    %dma_start3A_39 = tpu.memref_squeeze %dma_start3A_38 : memref<1x1024xi32, #tpu.memory_space<hbm>> -> memref<1024xi32, #tpu.memory_space<hbm>>
    %dma_start3A_40 = arith.constant 0 : i32
    %dma_start3A_41 = tpu.memref_slice %arg9[%dma_start3A_33, %dma_start3A_40] : memref<2x1024xi32, #tpu.memory_space<vmem>> -> memref<1x1024xi32, #tpu.memory_space<vmem>>
    %dma_start3A_42 = tpu.memref_squeeze %dma_start3A_41 : memref<1x1024xi32, #tpu.memory_space<vmem>> -> memref<1024xi32, #tpu.memory_space<vmem>>
    %dma_start3A_43 = arith.constant 0 : i32
    %dma_start3A_44 = tpu.memref_slice %arg3[%add3A_32, %dma_start3A_43] : memref<64x1024xi32, #tpu.memory_space<hbm>> -> memref<1x1024xi32, #tpu.memory_space<hbm>>
    %dma_start3A_45 = tpu.memref_squeeze %dma_start3A_44 : memref<1x1024xi32, #tpu.memory_space<hbm>> -> memref<1024xi32, #tpu.memory_space<hbm>>
    tpu.enqueue_dma source(%dma_start3A_45 : memref<1024xi32, #tpu.memory_space<hbm>>) target(%dma_start3A_42 : memref<1024xi32, #tpu.memory_space<vmem>>) target_semaphore(%arg11 : memref<!tpu.dma_semaphore, #tpu.memory_space<semaphore_mem>>)
    %add3A_46 = arith.constant 1 : i32
    %add3A_47 = arith.addi %mul3A_2, %add3A_46 : i32
    %dma_start3A_48 = arith.constant 1 : i32
    %dma_start3A_49 = arith.constant 0 : i32
    %dma_start3A_50 = tpu.memref_slice %arg8[%dma_start3A_48, %dma_start3A_49] : memref<2x1024xi32, #tpu.memory_space<vmem>> -> memref<1x1024xi32, #tpu.memory_space<vmem>>
    %dma_start3A_51 = tpu.memref_squeeze %dma_start3A_50 : memref<1x1024xi32, #tpu.memory_space<vmem>> -> memref<1024xi32, #tpu.memory_space<vmem>>
    %dma_start3A_52 = arith.constant 0 : i32
    %dma_start3A_53 = tpu.memref_slice %arg2[%add3A_47, %dma_start3A_52] : memref<64x1024xi32, #tpu.memory_space<hbm>> -> memref<1x1024xi32, #tpu.memory_space<hbm>>
    %dma_start3A_54 = tpu.memref_squeeze %dma_start3A_53 : memref<1x1024xi32, #tpu.memory_space<hbm>> -> memref<1024xi32, #tpu.memory_space<hbm>>
    %dma_start3A_55 = arith.constant 0 : i32
    %dma_start3A_56 = tpu.memref_slice %arg8[%dma_start3A_48, %dma_start3A_55] : memref<2x1024xi32, #tpu.memory_space<vmem>> -> memref<1x1024xi32, #tpu.memory_space<vmem>>
    %dma_start3A_57 = tpu.memref_squeeze %dma_start3A_56 : memref<1x1024xi32, #tpu.memory_space<vmem>> -> memref<1024xi32, #tpu.memory_space<vmem>>
    %dma_start3A_58 = arith.constant 0 : i32
    %dma_start3A_59 = tpu.memref_slice %arg2[%add3A_47, %dma_start3A_58] : memref<64x1024xi32, #tpu.memory_space<hbm>> -> memref<1x1024xi32, #tpu.memory_space<hbm>>
    %dma_start3A_60 = tpu.memref_squeeze %dma_start3A_59 : memref<1x1024xi32, #tpu.memory_space<hbm>> -> memref<1024xi32, #tpu.memory_space<hbm>>
    tpu.enqueue_dma source(%dma_start3A_60 : memref<1024xi32, #tpu.memory_space<hbm>>) target(%dma_start3A_57 : memref<1024xi32, #tpu.memory_space<vmem>>) target_semaphore(%arg11 : memref<!tpu.dma_semaphore, #tpu.memory_space<semaphore_mem>>)
    %add3A_61 = arith.constant 1 : i32
    %add3A_62 = arith.addi %mul3A_2, %add3A_61 : i32
    %dma_start3A_63 = arith.constant 1 : i32
    %dma_start3A_64 = arith.constant 0 : i32
    %dma_start3A_65 = tpu.memref_slice %arg9[%dma_start3A_63, %dma_start3A_64] : memref<2x1024xi32, #tpu.memory_space<vmem>> -> memref<1x1024xi32, #tpu.memory_space<vmem>>
    %dma_start3A_66 = tpu.memref_squeeze %dma_start3A_65 : memref<1x1024xi32, #tpu.memory_space<vmem>> -> memref<1024xi32, #tpu.memory_space<vmem>>
    %dma_start3A_67 = arith.constant 0 : i32
    %dma_start3A_68 = tpu.memref_slice %arg3[%add3A_62, %dma_start3A_67] : memref<64x1024xi32, #tpu.memory_space<hbm>> -> memref<1x1024xi32, #tpu.memory_space<hbm>>
    %dma_start3A_69 = tpu.memref_squeeze %dma_start3A_68 : memref<1x1024xi32, #tpu.memory_space<hbm>> -> memref<1024xi32, #tpu.memory_space<hbm>>
    %dma_start3A_70 = arith.constant 0 : i32
    %dma_start3A_71 = tpu.memref_slice %arg9[%dma_start3A_63, %dma_start3A_70] : memref<2x1024xi32, #tpu.memory_space<vmem>> -> memref<1x1024xi32, #tpu.memory_space<vmem>>
    %dma_start3A_72 = tpu.memref_squeeze %dma_start3A_71 : memref<1x1024xi32, #tpu.memory_space<vmem>> -> memref<1024xi32, #tpu.memory_space<vmem>>
    %dma_start3A_73 = arith.constant 0 : i32
    %dma_start3A_74 = tpu.memref_slice %arg3[%add3A_62, %dma_start3A_73] : memref<64x1024xi32, #tpu.memory_space<hbm>> -> memref<1x1024xi32, #tpu.memory_space<hbm>>
    %dma_start3A_75 = tpu.memref_squeeze %dma_start3A_74 : memref<1x1024xi32, #tpu.memory_space<hbm>> -> memref<1024xi32, #tpu.memory_space<hbm>>
    tpu.enqueue_dma source(%dma_start3A_75 : memref<1024xi32, #tpu.memory_space<hbm>>) target(%dma_start3A_72 : memref<1024xi32, #tpu.memory_space<vmem>>) target_semaphore(%arg11 : memref<!tpu.dma_semaphore, #tpu.memory_space<semaphore_mem>>)
    %dma_wait3A = arith.constant 0 : i32
    %dma_wait3A_76 = arith.constant 0 : i32
    %dma_wait3A_77 = tpu.memref_slice %arg4[%dma_wait3A, %dma_wait3A_76] : memref<2x320xf32, #tpu.memory_space<hbm>> -> memref<1x320xf32, #tpu.memory_space<hbm>>
    %dma_wait3A_78 = tpu.memref_squeeze %dma_wait3A_77 : memref<1x320xf32, #tpu.memory_space<hbm>> -> memref<320xf32, #tpu.memory_space<hbm>>
    %dma_wait3A_79 = arith.constant 0 : i32
    %dma_wait3A_80 = tpu.memref_slice %arg4[%dma_wait3A, %dma_wait3A_79] : memref<2x320xf32, #tpu.memory_space<hbm>> -> memref<1x320xf32, #tpu.memory_space<hbm>>
    %dma_wait3A_81 = tpu.memref_squeeze %dma_wait3A_80 : memref<1x320xf32, #tpu.memory_space<hbm>> -> memref<320xf32, #tpu.memory_space<hbm>>
    tpu.wait_dma2 semaphore(%arg11 : memref<!tpu.dma_semaphore, #tpu.memory_space<semaphore_mem>>) src(%dma_wait3A_81 : memref<320xf32, #tpu.memory_space<hbm>>) dst(%arg6 : memref<320xf32, #tpu.memory_space<vmem>>)
    %dma_wait3A_82 = arith.constant 1 : i32
    %dma_wait3A_83 = arith.constant 0 : i32
    %dma_wait3A_84 = tpu.memref_slice %arg4[%dma_wait3A_82, %dma_wait3A_83] : memref<2x320xf32, #tpu.memory_space<hbm>> -> memref<1x320xf32, #tpu.memory_space<hbm>>
    %dma_wait3A_85 = tpu.memref_squeeze %dma_wait3A_84 : memref<1x320xf32, #tpu.memory_space<hbm>> -> memref<320xf32, #tpu.memory_space<hbm>>
    %dma_wait3A_86 = arith.constant 0 : i32
    %dma_wait3A_87 = tpu.memref_slice %arg4[%dma_wait3A_82, %dma_wait3A_86] : memref<2x320xf32, #tpu.memory_space<hbm>> -> memref<1x320xf32, #tpu.memory_space<hbm>>
    %dma_wait3A_88 = tpu.memref_squeeze %dma_wait3A_87 : memref<1x320xf32, #tpu.memory_space<hbm>> -> memref<320xf32, #tpu.memory_space<hbm>>
    tpu.wait_dma2 semaphore(%arg11 : memref<!tpu.dma_semaphore, #tpu.memory_space<semaphore_mem>>) src(%dma_wait3A_88 : memref<320xf32, #tpu.memory_space<hbm>>) dst(%arg7 : memref<320xf32, #tpu.memory_space<vmem>>)
    %dma_wait3A_89 = arith.constant 0 : i32
    %dma_wait3A_90 = arith.constant 0 : i32
    %dma_wait3A_91 = tpu.memref_slice %arg8[%dma_wait3A_89, %dma_wait3A_90] : memref<2x1024xi32, #tpu.memory_space<vmem>> -> memref<1x1024xi32, #tpu.memory_space<vmem>>
    %dma_wait3A_92 = tpu.memref_squeeze %dma_wait3A_91 : memref<1x1024xi32, #tpu.memory_space<vmem>> -> memref<1024xi32, #tpu.memory_space<vmem>>
    %dma_wait3A_93 = arith.constant 0 : i32
    %dma_wait3A_94 = tpu.memref_slice %arg2[%add3A_17, %dma_wait3A_93] : memref<64x1024xi32, #tpu.memory_space<hbm>> -> memref<1x1024xi32, #tpu.memory_space<hbm>>
    %dma_wait3A_95 = tpu.memref_squeeze %dma_wait3A_94 : memref<1x1024xi32, #tpu.memory_space<hbm>> -> memref<1024xi32, #tpu.memory_space<hbm>>
    %dma_wait3A_96 = arith.constant 0 : i32
    %dma_wait3A_97 = tpu.memref_slice %arg8[%dma_wait3A_89, %dma_wait3A_96] : memref<2x1024xi32, #tpu.memory_space<vmem>> -> memref<1x1024xi32, #tpu.memory_space<vmem>>
    %dma_wait3A_98 = tpu.memref_squeeze %dma_wait3A_97 : memref<1x1024xi32, #tpu.memory_space<vmem>> -> memref<1024xi32, #tpu.memory_space<vmem>>
    %dma_wait3A_99 = arith.constant 0 : i32
    %dma_wait3A_100 = tpu.memref_slice %arg2[%add3A_17, %dma_wait3A_99] : memref<64x1024xi32, #tpu.memory_space<hbm>> -> memref<1x1024xi32, #tpu.memory_space<hbm>>
    %dma_wait3A_101 = tpu.memref_squeeze %dma_wait3A_100 : memref<1x1024xi32, #tpu.memory_space<hbm>> -> memref<1024xi32, #tpu.memory_space<hbm>>
    tpu.wait_dma2 semaphore(%arg11 : memref<!tpu.dma_semaphore, #tpu.memory_space<semaphore_mem>>) src(%dma_wait3A_101 : memref<1024xi32, #tpu.memory_space<hbm>>) dst(%dma_wait3A_98 : memref<1024xi32, #tpu.memory_space<vmem>>)
    %dma_wait3A_102 = arith.constant 0 : i32
    %dma_wait3A_103 = arith.constant 0 : i32
    %dma_wait3A_104 = tpu.memref_slice %arg9[%dma_wait3A_102, %dma_wait3A_103] : memref<2x1024xi32, #tpu.memory_space<vmem>> -> memref<1x1024xi32, #tpu.memory_space<vmem>>
    %dma_wait3A_105 = tpu.memref_squeeze %dma_wait3A_104 : memref<1x1024xi32, #tpu.memory_space<vmem>> -> memref<1024xi32, #tpu.memory_space<vmem>>
    %dma_wait3A_106 = arith.constant 0 : i32
    %dma_wait3A_107 = tpu.memref_slice %arg3[%add3A_32, %dma_wait3A_106] : memref<64x1024xi32, #tpu.memory_space<hbm>> -> memref<1x1024xi32, #tpu.memory_space<hbm>>
    %dma_wait3A_108 = tpu.memref_squeeze %dma_wait3A_107 : memref<1x1024xi32, #tpu.memory_space<hbm>> -> memref<1024xi32, #tpu.memory_space<hbm>>
    %dma_wait3A_109 = arith.constant 0 : i32
    %dma_wait3A_110 = tpu.memref_slice %arg9[%dma_wait3A_102, %dma_wait3A_109] : memref<2x1024xi32, #tpu.memory_space<vmem>> -> memref<1x1024xi32, #tpu.memory_space<vmem>>
    %dma_wait3A_111 = tpu.memref_squeeze %dma_wait3A_110 : memref<1x1024xi32, #tpu.memory_space<vmem>> -> memref<1024xi32, #tpu.memory_space<vmem>>
    %dma_wait3A_112 = arith.constant 0 : i32
    %dma_wait3A_113 = tpu.memref_slice %arg3[%add3A_32, %dma_wait3A_112] : memref<64x1024xi32, #tpu.memory_space<hbm>> -> memref<1x1024xi32, #tpu.memory_space<hbm>>
    %dma_wait3A_114 = tpu.memref_squeeze %dma_wait3A_113 : memref<1x1024xi32, #tpu.memory_space<hbm>> -> memref<1024xi32, #tpu.memory_space<hbm>>
    tpu.wait_dma2 semaphore(%arg11 : memref<!tpu.dma_semaphore, #tpu.memory_space<semaphore_mem>>) src(%dma_wait3A_114 : memref<1024xi32, #tpu.memory_space<hbm>>) dst(%dma_wait3A_111 : memref<1024xi32, #tpu.memory_space<vmem>>)
    %dma_wait3A_115 = arith.constant 1 : i32
    %dma_wait3A_116 = arith.constant 0 : i32
    %dma_wait3A_117 = tpu.memref_slice %arg8[%dma_wait3A_115, %dma_wait3A_116] : memref<2x1024xi32, #tpu.memory_space<vmem>> -> memref<1x1024xi32, #tpu.memory_space<vmem>>
    %dma_wait3A_118 = tpu.memref_squeeze %dma_wait3A_117 : memref<1x1024xi32, #tpu.memory_space<vmem>> -> memref<1024xi32, #tpu.memory_space<vmem>>
    %dma_wait3A_119 = arith.constant 0 : i32
    %dma_wait3A_120 = tpu.memref_slice %arg2[%add3A_47, %dma_wait3A_119] : memref<64x1024xi32, #tpu.memory_space<hbm>> -> memref<1x1024xi32, #tpu.memory_space<hbm>>
    %dma_wait3A_121 = tpu.memref_squeeze %dma_wait3A_120 : memref<1x1024xi32, #tpu.memory_space<hbm>> -> memref<1024xi32, #tpu.memory_space<hbm>>
    %dma_wait3A_122 = arith.constant 0 : i32
    %dma_wait3A_123 = tpu.memref_slice %arg8[%dma_wait3A_115, %dma_wait3A_122] : memref<2x1024xi32, #tpu.memory_space<vmem>> -> memref<1x1024xi32, #tpu.memory_space<vmem>>
    %dma_wait3A_124 = tpu.memref_squeeze %dma_wait3A_123 : memref<1x1024xi32, #tpu.memory_space<vmem>> -> memref<1024xi32, #tpu.memory_space<vmem>>
    %dma_wait3A_125 = arith.constant 0 : i32
    %dma_wait3A_126 = tpu.memref_slice %arg2[%add3A_47, %dma_wait3A_125] : memref<64x1024xi32, #tpu.memory_space<hbm>> -> memref<1x1024xi32, #tpu.memory_space<hbm>>
    %dma_wait3A_127 = tpu.memref_squeeze %dma_wait3A_126 : memref<1x1024xi32, #tpu.memory_space<hbm>> -> memref<1024xi32, #tpu.memory_space<hbm>>
    tpu.wait_dma2 semaphore(%arg11 : memref<!tpu.dma_semaphore, #tpu.memory_space<semaphore_mem>>) src(%dma_wait3A_127 : memref<1024xi32, #tpu.memory_space<hbm>>) dst(%dma_wait3A_124 : memref<1024xi32, #tpu.memory_space<vmem>>)
    %dma_wait3A_128 = arith.constant 1 : i32
    %dma_wait3A_129 = arith.constant 0 : i32
    %dma_wait3A_130 = tpu.memref_slice %arg9[%dma_wait3A_128, %dma_wait3A_129] : memref<2x1024xi32, #tpu.memory_space<vmem>> -> memref<1x1024xi32, #tpu.memory_space<vmem>>
    %dma_wait3A_131 = tpu.memref_squeeze %dma_wait3A_130 : memref<1x1024xi32, #tpu.memory_space<vmem>> -> memref<1024xi32, #tpu.memory_space<vmem>>
    %dma_wait3A_132 = arith.constant 0 : i32
    %dma_wait3A_133 = tpu.memref_slice %arg3[%add3A_62, %dma_wait3A_132] : memref<64x1024xi32, #tpu.memory_space<hbm>> -> memref<1x1024xi32, #tpu.memory_space<hbm>>
    %dma_wait3A_134 = tpu.memref_squeeze %dma_wait3A_133 : memref<1x1024xi32, #tpu.memory_space<hbm>> -> memref<1024xi32, #tpu.memory_space<hbm>>
    %dma_wait3A_135 = arith.constant 0 : i32
    %dma_wait3A_136 = tpu.memref_slice %arg9[%dma_wait3A_128, %dma_wait3A_135] : memref<2x1024xi32, #tpu.memory_space<vmem>> -> memref<1x1024xi32, #tpu.memory_space<vmem>>
    %dma_wait3A_137 = tpu.memref_squeeze %dma_wait3A_136 : memref<1x1024xi32, #tpu.memory_space<vmem>> -> memref<1024xi32, #tpu.memory_space<vmem>>
    %dma_wait3A_138 = arith.constant 0 : i32
    %dma_wait3A_139 = tpu.memref_slice %arg3[%add3A_62, %dma_wait3A_138] : memref<64x1024xi32, #tpu.memory_space<hbm>> -> memref<1x1024xi32, #tpu.memory_space<hbm>>
    %dma_wait3A_140 = tpu.memref_squeeze %dma_wait3A_139 : memref<1x1024xi32, #tpu.memory_space<hbm>> -> memref<1024xi32, #tpu.memory_space<hbm>>
    tpu.wait_dma2 semaphore(%arg11 : memref<!tpu.dma_semaphore, #tpu.memory_space<semaphore_mem>>) src(%dma_wait3A_140 : memref<1024xi32, #tpu.memory_space<hbm>>) dst(%dma_wait3A_137 : memref<1024xi32, #tpu.memory_space<vmem>>)
    %scan3A = arith.constant 0 : i32
    %scan3A_141 = arith.constant 0 : i32
    %scan3A_142 = arith.constant 64 : i32
    %scan3A_143 = arith.addi %scan3A_141, %scan3A_142 : i32
    %scan3A_144 = arith.constant 4 : i32
    scf.for %scan3A_208 = %scan3A_141 to %scan3A_143 step %scan3A_144  : i32 {
      %mul3A_209 = arith.constant 16 : i32
      %mul3A_210 = arith.muli %scan3A_208, %mul3A_209 : i32
      %get3A = arith.constant 0 : i32
      %get3A_211 = arith.index_cast %get3A : i32 to index
      %get3A_212 = arith.index_cast %mul3A_210 : i32 to index
      %get3A_213 = tpu.vector_load %arg8[%get3A_211, %get3A_212] {strides = array<i32>} : memref<2x1024xi32, #tpu.memory_space<vmem>>, vector<16xi32>,
      %get3A_214 = arith.constant 0 : i32
      %get3A_215 = arith.index_cast %get3A_214 : i32 to index
      %get3A_216 = arith.index_cast %mul3A_210 : i32 to index
      %get3A_217 = tpu.vector_load %arg9[%get3A_215, %get3A_216] {strides = array<i32>} : memref<2x1024xi32, #tpu.memory_space<vmem>>, vector<16xi32>,
      %gather3A = tpu.vector_load_idx %arg6[%get3A_213] : memref<320xf32, #tpu.memory_space<vmem>>[vector<16xi32>], vector<16xf32>,
      %gather3A_218 = tpu.vector_load_idx %arg7[%get3A_217] : memref<320xf32, #tpu.memory_space<vmem>>[vector<16xi32>], vector<16xf32>,
      %add3A_219 = arith.addf %gather3A, %gather3A_218 : vector<16xf32>
      %swap3A = arith.constant 0 : i32
      %swap3A_220 = arith.index_cast %swap3A : i32 to index
      %swap3A_221 = arith.index_cast %mul3A_210 : i32 to index
      %swap3A_222 = tpu.vector_load %arg10[%swap3A_220, %swap3A_221] {strides = array<i32>} : memref<2x1024xf32, #tpu.memory_space<vmem>>, vector<16xf32>,
      tpu.vector_store %arg10[%swap3A_220, %swap3A_221], %add3A_219 {strides = array<i32>} : memref<2x1024xf32, #tpu.memory_space<vmem>>, vector<16xf32>,
      %scan3A_223 = arith.constant 1 : i32
      %scan3A_224 = arith.addi %scan3A_208, %scan3A_223 : i32
      %mul3A_225 = arith.constant 16 : i32
      %mul3A_226 = arith.muli %scan3A_224, %mul3A_225 : i32
      %get3A_227 = arith.constant 0 : i32
      %get3A_228 = arith.index_cast %get3A_227 : i32 to index
      %get3A_229 = arith.index_cast %mul3A_226 : i32 to index
      %get3A_230 = tpu.vector_load %arg8[%get3A_228, %get3A_229] {strides = array<i32>} : memref<2x1024xi32, #tpu.memory_space<vmem>>, vector<16xi32>,
      %get3A_231 = arith.constant 0 : i32
      %get3A_232 = arith.index_cast %get3A_231 : i32 to index
      %get3A_233 = arith.index_cast %mul3A_226 : i32 to index
      %get3A_234 = tpu.vector_load %arg9[%get3A_232, %get3A_233] {strides = array<i32>} : memref<2x1024xi32, #tpu.memory_space<vmem>>, vector<16xi32>,
      %gather3A_235 = tpu.vector_load_idx %arg6[%get3A_230] : memref<320xf32, #tpu.memory_space<vmem>>[vector<16xi32>], vector<16xf32>,
      %gather3A_236 = tpu.vector_load_idx %arg7[%get3A_234] : memref<320xf32, #tpu.memory_space<vmem>>[vector<16xi32>], vector<16xf32>,
      %add3A_237 = arith.addf %gather3A_235, %gather3A_236 : vector<16xf32>
      %swap3A_238 = arith.constant 0 : i32
      %swap3A_239 = arith.index_cast %swap3A_238 : i32 to index
      %swap3A_240 = arith.index_cast %mul3A_226 : i32 to index
      %swap3A_241 = tpu.vector_load %arg10[%swap3A_239, %swap3A_240] {strides = array<i32>} : memref<2x1024xf32, #tpu.memory_space<vmem>>, vector<16xf32>,
      tpu.vector_store %arg10[%swap3A_239, %swap3A_240], %add3A_237 {strides = array<i32>} : memref<2x1024xf32, #tpu.memory_space<vmem>>, vector<16xf32>,
      %scan3A_242 = arith.constant 2 : i32
      %scan3A_243 = arith.addi %scan3A_208, %scan3A_242 : i32
      %mul3A_244 = arith.constant 16 : i32
      %mul3A_245 = arith.muli %scan3A_243, %mul3A_244 : i32
      %get3A_246 = arith.constant 0 : i32
      %get3A_247 = arith.index_cast %get3A_246 : i32 to index
      %get3A_248 = arith.index_cast %mul3A_245 : i32 to index
      %get3A_249 = tpu.vector_load %arg8[%get3A_247, %get3A_248] {strides = array<i32>} : memref<2x1024xi32, #tpu.memory_space<vmem>>, vector<16xi32>,
      %get3A_250 = arith.constant 0 : i32
      %get3A_251 = arith.index_cast %get3A_250 : i32 to index
      %get3A_252 = arith.index_cast %mul3A_245 : i32 to index
      %get3A_253 = tpu.vector_load %arg9[%get3A_251, %get3A_252] {strides = array<i32>} : memref<2x1024xi32, #tpu.memory_space<vmem>>, vector<16xi32>,
      %gather3A_254 = tpu.vector_load_idx %arg6[%get3A_249] : memref<320xf32, #tpu.memory_space<vmem>>[vector<16xi32>], vector<16xf32>,
      %gather3A_255 = tpu.vector_load_idx %arg7[%get3A_253] : memref<320xf32, #tpu.memory_space<vmem>>[vector<16xi32>], vector<16xf32>,
      %add3A_256 = arith.addf %gather3A_254, %gather3A_255 : vector<16xf32>
      %swap3A_257 = arith.constant 0 : i32
      %swap3A_258 = arith.index_cast %swap3A_257 : i32 to index
      %swap3A_259 = arith.index_cast %mul3A_245 : i32 to index
      %swap3A_260 = tpu.vector_load %arg10[%swap3A_258, %swap3A_259] {strides = array<i32>} : memref<2x1024xf32, #tpu.memory_space<vmem>>, vector<16xf32>,
      tpu.vector_store %arg10[%swap3A_258, %swap3A_259], %add3A_256 {strides = array<i32>} : memref<2x1024xf32, #tpu.memory_space<vmem>>, vector<16xf32>,
      %scan3A_261 = arith.constant 3 : i32
      %scan3A_262 = arith.addi %scan3A_208, %scan3A_261 : i32
      %mul3A_263 = arith.constant 16 : i32
      %mul3A_264 = arith.muli %scan3A_262, %mul3A_263 : i32
      %get3A_265 = arith.constant 0 : i32
      %get3A_266 = arith.index_cast %get3A_265 : i32 to index
      %get3A_267 = arith.index_cast %mul3A_264 : i32 to index
      %get3A_268 = tpu.vector_load %arg8[%get3A_266, %get3A_267] {strides = array<i32>} : memref<2x1024xi32, #tpu.memory_space<vmem>>, vector<16xi32>,
      %get3A_269 = arith.constant 0 : i32
      %get3A_270 = arith.index_cast %get3A_269 : i32 to index
      %get3A_271 = arith.index_cast %mul3A_264 : i32 to index
      %get3A_272 = tpu.vector_load %arg9[%get3A_270, %get3A_271] {strides = array<i32>} : memref<2x1024xi32, #tpu.memory_space<vmem>>, vector<16xi32>,
      %gather3A_273 = tpu.vector_load_idx %arg6[%get3A_268] : memref<320xf32, #tpu.memory_space<vmem>>[vector<16xi32>], vector<16xf32>,
      %gather3A_274 = tpu.vector_load_idx %arg7[%get3A_272] : memref<320xf32, #tpu.memory_space<vmem>>[vector<16xi32>], vector<16xf32>,
      %add3A_275 = arith.addf %gather3A_273, %gather3A_274 : vector<16xf32>
      %swap3A_276 = arith.constant 0 : i32
      %swap3A_277 = arith.index_cast %swap3A_276 : i32 to index
      %swap3A_278 = arith.index_cast %mul3A_264 : i32 to index
      %swap3A_279 = tpu.vector_load %arg10[%swap3A_277, %swap3A_278] {strides = array<i32>} : memref<2x1024xf32, #tpu.memory_space<vmem>>, vector<16xf32>,
      tpu.vector_store %arg10[%swap3A_277, %swap3A_278], %add3A_275 {strides = array<i32>} : memref<2x1024xf32, #tpu.memory_space<vmem>>, vector<16xf32>,
    }
    %scan3A_145 = arith.constant 64 : i32
    %add3A_146 = arith.constant 0 : i32
    %add3A_147 = arith.addi %mul3A_2, %add3A_146 : i32
    %dma_start3A_148 = arith.constant 0 : i32
    %dma_start3A_149 = arith.constant 0 : i32
    %dma_start3A_150 = tpu.memref_slice %arg10[%dma_start3A_148, %dma_start3A_149] : memref<2x1024xf32, #tpu.memory_space<vmem>> -> memref<1x1024xf32, #tpu.memory_space<vmem>>
    %dma_start3A_151 = tpu.memref_squeeze %dma_start3A_150 : memref<1x1024xf32, #tpu.memory_space<vmem>> -> memref<1024xf32, #tpu.memory_space<vmem>>
    %dma_start3A_152 = arith.constant 0 : i32
    %dma_start3A_153 = tpu.memref_slice %arg5[%add3A_147, %dma_start3A_152] : memref<64x1024xf32, #tpu.memory_space<hbm>> -> memref<1x1024xf32, #tpu.memory_space<hbm>>
    %dma_start3A_154 = tpu.memref_squeeze %dma_start3A_153 : memref<1x1024xf32, #tpu.memory_space<hbm>> -> memref<1024xf32, #tpu.memory_space<hbm>>
    %dma_start3A_155 = arith.constant 0 : i32
    %dma_start3A_156 = tpu.memref_slice %arg5[%add3A_147, %dma_start3A_155] : memref<64x1024xf32, #tpu.memory_space<hbm>> -> memref<1x1024xf32, #tpu.memory_space<hbm>>
    %dma_start3A_157 = tpu.memref_squeeze %dma_start3A_156 : memref<1x1024xf32, #tpu.memory_space<hbm>> -> memref<1024xf32, #tpu.memory_space<hbm>>
    %dma_start3A_158 = arith.constant 0 : i32
    %dma_start3A_159 = tpu.memref_slice %arg10[%dma_start3A_148, %dma_start3A_158] : memref<2x1024xf32, #tpu.memory_space<vmem>> -> memref<1x1024xf32, #tpu.memory_space<vmem>>
    %dma_start3A_160 = tpu.memref_squeeze %dma_start3A_159 : memref<1x1024xf32, #tpu.memory_space<vmem>> -> memref<1024xf32, #tpu.memory_space<vmem>>
    tpu.enqueue_dma source(%dma_start3A_160 : memref<1024xf32, #tpu.memory_space<vmem>>) target(%dma_start3A_157 : memref<1024xf32, #tpu.memory_space<hbm>>) target_semaphore(%arg12 : memref<!tpu.dma_semaphore, #tpu.memory_space<semaphore_mem>>)
    %scan3A_161 = arith.constant 0 : i32
    %scan3A_162 = arith.constant 0 : i32
    %scan3A_163 = arith.constant 64 : i32
    %scan3A_164 = arith.addi %scan3A_162, %scan3A_163 : i32
    %scan3A_165 = arith.constant 4 : i32
    scf.for %scan3A_208 = %scan3A_162 to %scan3A_164 step %scan3A_165  : i32 {
      %mul3A_209 = arith.constant 16 : i32
      %mul3A_210 = arith.muli %scan3A_208, %mul3A_209 : i32
      %get3A = arith.constant 1 : i32
      %get3A_211 = arith.index_cast %get3A : i32 to index
      %get3A_212 = arith.index_cast %mul3A_210 : i32 to index
      %get3A_213 = tpu.vector_load %arg8[%get3A_211, %get3A_212] {strides = array<i32>} : memref<2x1024xi32, #tpu.memory_space<vmem>>, vector<16xi32>,
      %get3A_214 = arith.constant 1 : i32
      %get3A_215 = arith.index_cast %get3A_214 : i32 to index
      %get3A_216 = arith.index_cast %mul3A_210 : i32 to index
      %get3A_217 = tpu.vector_load %arg9[%get3A_215, %get3A_216] {strides = array<i32>} : memref<2x1024xi32, #tpu.memory_space<vmem>>, vector<16xi32>,
      %gather3A = tpu.vector_load_idx %arg6[%get3A_213] : memref<320xf32, #tpu.memory_space<vmem>>[vector<16xi32>], vector<16xf32>,
      %gather3A_218 = tpu.vector_load_idx %arg7[%get3A_217] : memref<320xf32, #tpu.memory_space<vmem>>[vector<16xi32>], vector<16xf32>,
      %add3A_219 = arith.addf %gather3A, %gather3A_218 : vector<16xf32>
      %swap3A = arith.constant 1 : i32
      %swap3A_220 = arith.index_cast %swap3A : i32 to index
      %swap3A_221 = arith.index_cast %mul3A_210 : i32 to index
      %swap3A_222 = tpu.vector_load %arg10[%swap3A_220, %swap3A_221] {strides = array<i32>} : memref<2x1024xf32, #tpu.memory_space<vmem>>, vector<16xf32>,
      tpu.vector_store %arg10[%swap3A_220, %swap3A_221], %add3A_219 {strides = array<i32>} : memref<2x1024xf32, #tpu.memory_space<vmem>>, vector<16xf32>,
      %scan3A_223 = arith.constant 1 : i32
      %scan3A_224 = arith.addi %scan3A_208, %scan3A_223 : i32
      %mul3A_225 = arith.constant 16 : i32
      %mul3A_226 = arith.muli %scan3A_224, %mul3A_225 : i32
      %get3A_227 = arith.constant 1 : i32
      %get3A_228 = arith.index_cast %get3A_227 : i32 to index
      %get3A_229 = arith.index_cast %mul3A_226 : i32 to index
      %get3A_230 = tpu.vector_load %arg8[%get3A_228, %get3A_229] {strides = array<i32>} : memref<2x1024xi32, #tpu.memory_space<vmem>>, vector<16xi32>,
      %get3A_231 = arith.constant 1 : i32
      %get3A_232 = arith.index_cast %get3A_231 : i32 to index
      %get3A_233 = arith.index_cast %mul3A_226 : i32 to index
      %get3A_234 = tpu.vector_load %arg9[%get3A_232, %get3A_233] {strides = array<i32>} : memref<2x1024xi32, #tpu.memory_space<vmem>>, vector<16xi32>,
      %gather3A_235 = tpu.vector_load_idx %arg6[%get3A_230] : memref<320xf32, #tpu.memory_space<vmem>>[vector<16xi32>], vector<16xf32>,
      %gather3A_236 = tpu.vector_load_idx %arg7[%get3A_234] : memref<320xf32, #tpu.memory_space<vmem>>[vector<16xi32>], vector<16xf32>,
      %add3A_237 = arith.addf %gather3A_235, %gather3A_236 : vector<16xf32>
      %swap3A_238 = arith.constant 1 : i32
      %swap3A_239 = arith.index_cast %swap3A_238 : i32 to index
      %swap3A_240 = arith.index_cast %mul3A_226 : i32 to index
      %swap3A_241 = tpu.vector_load %arg10[%swap3A_239, %swap3A_240] {strides = array<i32>} : memref<2x1024xf32, #tpu.memory_space<vmem>>, vector<16xf32>,
      tpu.vector_store %arg10[%swap3A_239, %swap3A_240], %add3A_237 {strides = array<i32>} : memref<2x1024xf32, #tpu.memory_space<vmem>>, vector<16xf32>,
      %scan3A_242 = arith.constant 2 : i32
      %scan3A_243 = arith.addi %scan3A_208, %scan3A_242 : i32
      %mul3A_244 = arith.constant 16 : i32
      %mul3A_245 = arith.muli %scan3A_243, %mul3A_244 : i32
      %get3A_246 = arith.constant 1 : i32
      %get3A_247 = arith.index_cast %get3A_246 : i32 to index
      %get3A_248 = arith.index_cast %mul3A_245 : i32 to index
      %get3A_249 = tpu.vector_load %arg8[%get3A_247, %get3A_248] {strides = array<i32>} : memref<2x1024xi32, #tpu.memory_space<vmem>>, vector<16xi32>,
      %get3A_250 = arith.constant 1 : i32
      %get3A_251 = arith.index_cast %get3A_250 : i32 to index
      %get3A_252 = arith.index_cast %mul3A_245 : i32 to index
      %get3A_253 = tpu.vector_load %arg9[%get3A_251, %get3A_252] {strides = array<i32>} : memref<2x1024xi32, #tpu.memory_space<vmem>>, vector<16xi32>,
      %gather3A_254 = tpu.vector_load_idx %arg6[%get3A_249] : memref<320xf32, #tpu.memory_space<vmem>>[vector<16xi32>], vector<16xf32>,
      %gather3A_255 = tpu.vector_load_idx %arg7[%get3A_253] : memref<320xf32, #tpu.memory_space<vmem>>[vector<16xi32>], vector<16xf32>,
      %add3A_256 = arith.addf %gather3A_254, %gather3A_255 : vector<16xf32>
      %swap3A_257 = arith.constant 1 : i32
      %swap3A_258 = arith.index_cast %swap3A_257 : i32 to index
      %swap3A_259 = arith.index_cast %mul3A_245 : i32 to index
      %swap3A_260 = tpu.vector_load %arg10[%swap3A_258, %swap3A_259] {strides = array<i32>} : memref<2x1024xf32, #tpu.memory_space<vmem>>, vector<16xf32>,
      tpu.vector_store %arg10[%swap3A_258, %swap3A_259], %add3A_256 {strides = array<i32>} : memref<2x1024xf32, #tpu.memory_space<vmem>>, vector<16xf32>,
      %scan3A_261 = arith.constant 3 : i32
      %scan3A_262 = arith.addi %scan3A_208, %scan3A_261 : i32
      %mul3A_263 = arith.constant 16 : i32
      %mul3A_264 = arith.muli %scan3A_262, %mul3A_263 : i32
      %get3A_265 = arith.constant 1 : i32
      %get3A_266 = arith.index_cast %get3A_265 : i32 to index
      %get3A_267 = arith.index_cast %mul3A_264 : i32 to index
      %get3A_268 = tpu.vector_load %arg8[%get3A_266, %get3A_267] {strides = array<i32>} : memref<2x1024xi32, #tpu.memory_space<vmem>>, vector<16xi32>,
      %get3A_269 = arith.constant 1 : i32
      %get3A_270 = arith.index_cast %get3A_269 : i32 to index
      %get3A_271 = arith.index_cast %mul3A_264 : i32 to index
      %get3A_272 = tpu.vector_load %arg9[%get3A_270, %get3A_271] {strides = array<i32>} : memref<2x1024xi32, #tpu.memory_space<vmem>>, vector<16xi32>,
      %gather3A_273 = tpu.vector_load_idx %arg6[%get3A_268] : memref<320xf32, #tpu.memory_space<vmem>>[vector<16xi32>], vector<16xf32>,
      %gather3A_274 = tpu.vector_load_idx %arg7[%get3A_272] : memref<320xf32, #tpu.memory_space<vmem>>[vector<16xi32>], vector<16xf32>,
      %add3A_275 = arith.addf %gather3A_273, %gather3A_274 : vector<16xf32>
      %swap3A_276 = arith.constant 1 : i32
      %swap3A_277 = arith.index_cast %swap3A_276 : i32 to index
      %swap3A_278 = arith.index_cast %mul3A_264 : i32 to index
      %swap3A_279 = tpu.vector_load %arg10[%swap3A_277, %swap3A_278] {strides = array<i32>} : memref<2x1024xf32, #tpu.memory_space<vmem>>, vector<16xf32>,
      tpu.vector_store %arg10[%swap3A_277, %swap3A_278], %add3A_275 {strides = array<i32>} : memref<2x1024xf32, #tpu.memory_space<vmem>>, vector<16xf32>,
    }
    %scan3A_166 = arith.constant 64 : i32
    %add3A_167 = arith.constant 1 : i32
    %add3A_168 = arith.addi %mul3A_2, %add3A_167 : i32
    %dma_start3A_169 = arith.constant 1 : i32
    %dma_start3A_170 = arith.constant 0 : i32
    %dma_start3A_171 = tpu.memref_slice %arg10[%dma_start3A_169, %dma_start3A_170] : memref<2x1024xf32, #tpu.memory_space<vmem>> -> memref<1x1024xf32, #tpu.memory_space<vmem>>
    %dma_start3A_172 = tpu.memref_squeeze %dma_start3A_171 : memref<1x1024xf32, #tpu.memory_space<vmem>> -> memref<1024xf32, #tpu.memory_space<vmem>>
    %dma_start3A_173 = arith.constant 0 : i32
    %dma_start3A_174 = tpu.memref_slice %arg5[%add3A_168, %dma_start3A_173] : memref<64x1024xf32, #tpu.memory_space<hbm>> -> memref<1x1024xf32, #tpu.memory_space<hbm>>
    %dma_start3A_175 = tpu.memref_squeeze %dma_start3A_174 : memref<1x1024xf32, #tpu.memory_space<hbm>> -> memref<1024xf32, #tpu.memory_space<hbm>>
    %dma_start3A_176 = arith.constant 0 : i32
    %dma_start3A_177 = tpu.memref_slice %arg5[%add3A_168, %dma_start3A_176] : memref<64x1024xf32, #tpu.memory_space<hbm>> -> memref<1x1024xf32, #tpu.memory_space<hbm>>
    %dma_start3A_178 = tpu.memref_squeeze %dma_start3A_177 : memref<1x1024xf32, #tpu.memory_space<hbm>> -> memref<1024xf32, #tpu.memory_space<hbm>>
    %dma_start3A_179 = arith.constant 0 : i32
    %dma_start3A_180 = tpu.memref_slice %arg10[%dma_start3A_169, %dma_start3A_179] : memref<2x1024xf32, #tpu.memory_space<vmem>> -> memref<1x1024xf32, #tpu.memory_space<vmem>>
    %dma_start3A_181 = tpu.memref_squeeze %dma_start3A_180 : memref<1x1024xf32, #tpu.memory_space<vmem>> -> memref<1024xf32, #tpu.memory_space<vmem>>
    tpu.enqueue_dma source(%dma_start3A_181 : memref<1024xf32, #tpu.memory_space<vmem>>) target(%dma_start3A_178 : memref<1024xf32, #tpu.memory_space<hbm>>) target_semaphore(%arg12 : memref<!tpu.dma_semaphore, #tpu.memory_space<semaphore_mem>>)
    %dma_wait3A_182 = arith.constant 0 : i32
    %dma_wait3A_183 = arith.constant 0 : i32
    %dma_wait3A_184 = tpu.memref_slice %arg10[%dma_wait3A_182, %dma_wait3A_183] : memref<2x1024xf32, #tpu.memory_space<vmem>> -> memref<1x1024xf32, #tpu.memory_space<vmem>>
    %dma_wait3A_185 = tpu.memref_squeeze %dma_wait3A_184 : memref<1x1024xf32, #tpu.memory_space<vmem>> -> memref<1024xf32, #tpu.memory_space<vmem>>
    %dma_wait3A_186 = arith.constant 0 : i32
    %dma_wait3A_187 = tpu.memref_slice %arg5[%add3A_147, %dma_wait3A_186] : memref<64x1024xf32, #tpu.memory_space<hbm>> -> memref<1x1024xf32, #tpu.memory_space<hbm>>
    %dma_wait3A_188 = tpu.memref_squeeze %dma_wait3A_187 : memref<1x1024xf32, #tpu.memory_space<hbm>> -> memref<1024xf32, #tpu.memory_space<hbm>>
    %dma_wait3A_189 = arith.constant 0 : i32
    %dma_wait3A_190 = tpu.memref_slice %arg5[%add3A_147, %dma_wait3A_189] : memref<64x1024xf32, #tpu.memory_space<hbm>> -> memref<1x1024xf32, #tpu.memory_space<hbm>>
    %dma_wait3A_191 = tpu.memref_squeeze %dma_wait3A_190 : memref<1x1024xf32, #tpu.memory_space<hbm>> -> memref<1024xf32, #tpu.memory_space<hbm>>
    %dma_wait3A_192 = arith.constant 0 : i32
    %dma_wait3A_193 = tpu.memref_slice %arg10[%dma_wait3A_182, %dma_wait3A_192] : memref<2x1024xf32, #tpu.memory_space<vmem>> -> memref<1x1024xf32, #tpu.memory_space<vmem>>
    %dma_wait3A_194 = tpu.memref_squeeze %dma_wait3A_193 : memref<1x1024xf32, #tpu.memory_space<vmem>> -> memref<1024xf32, #tpu.memory_space<vmem>>
    tpu.wait_dma2 semaphore(%arg12 : memref<!tpu.dma_semaphore, #tpu.memory_space<semaphore_mem>>) src(%dma_wait3A_194 : memref<1024xf32, #tpu.memory_space<vmem>>) dst(%dma_wait3A_191 : memref<1024xf32, #tpu.memory_space<hbm>>)
    %dma_wait3A_195 = arith.constant 1 : i32
    %dma_wait3A_196 = arith.constant 0 : i32
    %dma_wait3A_197 = tpu.memref_slice %arg10[%dma_wait3A_195, %dma_wait3A_196] : memref<2x1024xf32, #tpu.memory_space<vmem>> -> memref<1x1024xf32, #tpu.memory_space<vmem>>
    %dma_wait3A_198 = tpu.memref_squeeze %dma_wait3A_197 : memref<1x1024xf32, #tpu.memory_space<vmem>> -> memref<1024xf32, #tpu.memory_space<vmem>>
    %dma_wait3A_199 = arith.constant 0 : i32
    %dma_wait3A_200 = tpu.memref_slice %arg5[%add3A_168, %dma_wait3A_199] : memref<64x1024xf32, #tpu.memory_space<hbm>> -> memref<1x1024xf32, #tpu.memory_space<hbm>>
    %dma_wait3A_201 = tpu.memref_squeeze %dma_wait3A_200 : memref<1x1024xf32, #tpu.memory_space<hbm>> -> memref<1024xf32, #tpu.memory_space<hbm>>
    %dma_wait3A_202 = arith.constant 0 : i32
    %dma_wait3A_203 = tpu.memref_slice %arg5[%add3A_168, %dma_wait3A_202] : memref<64x1024xf32, #tpu.memory_space<hbm>> -> memref<1x1024xf32, #tpu.memory_space<hbm>>
    %dma_wait3A_204 = tpu.memref_squeeze %dma_wait3A_203 : memref<1x1024xf32, #tpu.memory_space<hbm>> -> memref<1024xf32, #tpu.memory_space<hbm>>
    %dma_wait3A_205 = arith.constant 0 : i32
    %dma_wait3A_206 = tpu.memref_slice %arg10[%dma_wait3A_195, %dma_wait3A_205] : memref<2x1024xf32, #tpu.memory_space<vmem>> -> memref<1x1024xf32, #tpu.memory_space<vmem>>
    %dma_wait3A_207 = tpu.memref_squeeze %dma_wait3A_206 : memref<1x1024xf32, #tpu.memory_space<vmem>> -> memref<1024xf32, #tpu.memory_space<vmem>>
    tpu.wait_dma2 semaphore(%arg12 : memref<!tpu.dma_semaphore, #tpu.memory_space<semaphore_mem>>) src(%dma_wait3A_207 : memref<1024xf32, #tpu.memory_space<vmem>>) dst(%dma_wait3A_204 : memref<1024xf32, #tpu.memory_space<hbm>>)
    return
  }
}

module attributes {stable_mosaic.version = 14 : i64} {
  func.func @_gc_kernel(%arg0: memref<320x320xf32, #tpu.memory_space<vmem>>, %arg1: memref<2x320xf32, #tpu.memory_space<vmem>>) attributes {dimension_semantics = [], scalar_prefetch = 0 : i64, scratch_operands = 0 : i64, tpu.core_type = #tpu.core_type<tc>} {
    %get3A = arith.constant 0 : index
    %get3A_0 = arith.constant 0 : index
    %get3A_1 = vector.load %arg0[%get3A, %get3A_0] : memref<320x320xf32, #tpu.memory_space<vmem>>, vector<320x320xf32>
    %broadcast_in_dim3A = arith.constant 1.000000e+00 : f32
    %broadcast_in_dim3A_2 = vector.broadcast %broadcast_in_dim3A : f32 to vector<1x320xf32>
    %dot_general3A = arith.constant dense<0.000000e+00> : vector<1x320xf32>
    %dot_general3A_3 = tpu.matmul %broadcast_in_dim3A_2, %get3A_1, %dot_general3A {dimension_numbers = #tpu.dot_dimension_numbers<[1], [1], [0], [0], [0, 0, 1, 0], [], []>, transpose_lhs_hint = false} : vector<1x320xf32>, vector<320x320xf32>, vector<1x320xf32> -> vector<1x320xf32>
    %dot_general3A_4 = arith.constant dense<0.000000e+00> : vector<1x320xf32>
    %dot_general3A_5 = tpu.matmul %broadcast_in_dim3A_2, %get3A_1, %dot_general3A_4 {dimension_numbers = #tpu.dot_dimension_numbers<[1], [0], [0], [1], [0, 0, 1, 1], [], []>, transpose_lhs_hint = false} : vector<1x320xf32>, vector<320x320xf32>, vector<1x320xf32> -> vector<1x320xf32>
    %concatenate3A = tpu.concatenate %dot_general3A_3, %dot_general3A_5 in 0 : vector<1x320xf32>, vector<1x320xf32> -> vector<2x320xf32>
    %swap3A = arith.constant 0 : index
    %swap3A_6 = arith.constant 0 : index
    %swap3A_7 = vector.load %arg1[%swap3A, %swap3A_6] : memref<2x320xf32, #tpu.memory_space<vmem>>, vector<2x320xf32>
    tpu.vector_store %arg1[%swap3A, %swap3A_6], %concatenate3A {strides = array<i32>} : memref<2x320xf32, #tpu.memory_space<vmem>>, vector<2x320xf32>,
    return
  }
}

module attributes {stable_mosaic.version = 14 : i64} {
  func.func @_pool_kernel(%arg0: i32, %arg1: memref<64xi32, #tpu.memory_space<smem>>, %arg2: memref<2x1x1024xf32, #tpu.memory_space<vmem>>, %arg3: memref<2x1024x768xf32, #tpu.memory_space<vmem>>, %arg4: memref<1x2x768xf32, #tpu.memory_space<vmem>>) attributes {dimension_semantics = [#tpu.dimension_semantics<arbitrary>], iteration_bounds = array<i64: 32>, scalar_prefetch = 1 : i64, scratch_operands = 0 : i64, tpu.core_type = #tpu.core_type<tc>, window_params = [{transform_indices = @transform_0, window_bounds = array<i64: 2, 1, 1024>}, {transform_indices = @transform_1, window_bounds = array<i64: 2, 1024, 768>}, {transform_indices = @transform_2, window_bounds = array<i64: 1, 2, 768>}]} {
    %iota3A = tpu.iota {dimensions = array<i32: 1>} : vector<1x1024xi32>
    %mul3A = arith.constant 2 : i32
    %mul3A_0 = arith.muli %arg0, %mul3A : i32
    %add3A = arith.constant 0 : i32
    %add3A_1 = arith.addi %mul3A_0, %add3A : i32
    %get3A = arith.index_cast %add3A_1 : i32 to index
    %get3A_2 = memref.load %arg1[%get3A] : memref<64xi32, #tpu.memory_space<smem>>
    %lt3A = vector.broadcast %get3A_2 : i32 to vector<1x1024xi32>
    %lt3A_3 = arith.cmpi slt, %iota3A, %lt3A : vector<1x1024xi32>
    %get3A_4 = arith.constant 0 : index
    %get3A_5 = arith.constant 0 : index
    %get3A_6 = arith.constant 0 : index
    %get3A_7 = vector.load %arg2[%get3A_4, %get3A_5, %get3A_6] : memref<2x1x1024xf32, #tpu.memory_space<vmem>>, vector<1x1x1024xf32>
    %get3A_8 = vector.shape_cast %get3A_7 : vector<1x1x1024xf32> to vector<1x1024xf32>
    %div3A = arith.constant 1.000000e+00 : f32
    %div3A_9 = vector.broadcast %div3A : f32 to vector<1x1024xf32>
    %div3A_10 = arith.divf %div3A_9, %get3A_8 : vector<1x1024xf32>
    %jit3A = arith.constant 0.000000e+00 : f32
    %broadcast_in_dim3A = vector.broadcast %jit3A : f32 to vector<1x1024xf32>
    %select_n3A = arith.select %lt3A_3, %div3A_10, %broadcast_in_dim3A : vector<1x1024xi1>, vector<1x1024xf32>
    %reduce_sum3A = vector.shape_cast %select_n3A : vector<1x1024xf32> to vector<1x1x1024xf32>
    %reduce_sum3A_11 = arith.constant dense<0.000000e+00> : vector<1xf32>
    %reduce_sum3A_12 = vector.multi_reduction <add>, %reduce_sum3A, %reduce_sum3A_11 [1, 2] : vector<1x1x1024xf32> to vector<1xf32>
    %reduce_sum3A_13 = vector.shape_cast %reduce_sum3A_12 : vector<1xf32> to vector<1x1x1xf32>
    %reduce_sum3A_14 = vector.extract %reduce_sum3A_13[0, 0, 0] : f32 from vector<1x1x1xf32>
    %get3A_15 = arith.constant 0 : index
    %get3A_16 = arith.constant 0 : index
    %get3A_17 = arith.constant 0 : index
    %get3A_18 = vector.load %arg3[%get3A_15, %get3A_16, %get3A_17] : memref<2x1024x768xf32, #tpu.memory_space<vmem>>, vector<1x1024x768xf32>
    %get3A_19 = vector.shape_cast %get3A_18 : vector<1x1024x768xf32> to vector<1024x768xf32>
    %dot_general3A = arith.constant dense<0.000000e+00> : vector<1x768xf32>
    %dot_general3A_20 = tpu.matmul %select_n3A, %get3A_19, %dot_general3A {dimension_numbers = #tpu.dot_dimension_numbers<[1], [0], [0], [1], [0, 0, 1, 1], [], []>, transpose_lhs_hint = false} : vector<1x1024xf32>, vector<1024x768xf32>, vector<1x768xf32> -> vector<1x768xf32>
    %div3A_21 = vector.broadcast %reduce_sum3A_14 : f32 to vector<1x768xf32>
    %div3A_22 = arith.divf %dot_general3A_20, %div3A_21 : vector<1x768xf32>
    %mul3A_23 = arith.constant 2 : i32
    %mul3A_24 = arith.muli %arg0, %mul3A_23 : i32
    %add3A_25 = arith.constant 1 : i32
    %add3A_26 = arith.addi %mul3A_24, %add3A_25 : i32
    %get3A_27 = arith.index_cast %add3A_26 : i32 to index
    %get3A_28 = memref.load %arg1[%get3A_27] : memref<64xi32, #tpu.memory_space<smem>>
    %lt3A_29 = vector.broadcast %get3A_28 : i32 to vector<1x1024xi32>
    %lt3A_30 = arith.cmpi slt, %iota3A, %lt3A_29 : vector<1x1024xi32>
    %get3A_31 = arith.constant 1 : index
    %get3A_32 = arith.constant 0 : index
    %get3A_33 = arith.constant 0 : index
    %get3A_34 = vector.load %arg2[%get3A_31, %get3A_32, %get3A_33] : memref<2x1x1024xf32, #tpu.memory_space<vmem>>, vector<1x1x1024xf32>
    %get3A_35 = vector.shape_cast %get3A_34 : vector<1x1x1024xf32> to vector<1x1024xf32>
    %div3A_36 = arith.constant 1.000000e+00 : f32
    %div3A_37 = vector.broadcast %div3A_36 : f32 to vector<1x1024xf32>
    %div3A_38 = arith.divf %div3A_37, %get3A_35 : vector<1x1024xf32>
    %jit3A_39 = arith.constant 0.000000e+00 : f32
    %broadcast_in_dim3A_40 = vector.broadcast %jit3A_39 : f32 to vector<1x1024xf32>
    %select_n3A_41 = arith.select %lt3A_30, %div3A_38, %broadcast_in_dim3A_40 : vector<1x1024xi1>, vector<1x1024xf32>
    %reduce_sum3A_42 = vector.shape_cast %select_n3A_41 : vector<1x1024xf32> to vector<1x1x1024xf32>
    %reduce_sum3A_43 = arith.constant dense<0.000000e+00> : vector<1xf32>
    %reduce_sum3A_44 = vector.multi_reduction <add>, %reduce_sum3A_42, %reduce_sum3A_43 [1, 2] : vector<1x1x1024xf32> to vector<1xf32>
    %reduce_sum3A_45 = vector.shape_cast %reduce_sum3A_44 : vector<1xf32> to vector<1x1x1xf32>
    %reduce_sum3A_46 = vector.extract %reduce_sum3A_45[0, 0, 0] : f32 from vector<1x1x1xf32>
    %get3A_47 = arith.constant 1 : index
    %get3A_48 = arith.constant 0 : index
    %get3A_49 = arith.constant 0 : index
    %get3A_50 = vector.load %arg3[%get3A_47, %get3A_48, %get3A_49] : memref<2x1024x768xf32, #tpu.memory_space<vmem>>, vector<1x1024x768xf32>
    %get3A_51 = vector.shape_cast %get3A_50 : vector<1x1024x768xf32> to vector<1024x768xf32>
    %dot_general3A_52 = arith.constant dense<0.000000e+00> : vector<1x768xf32>
    %dot_general3A_53 = tpu.matmul %select_n3A_41, %get3A_51, %dot_general3A_52 {dimension_numbers = #tpu.dot_dimension_numbers<[1], [0], [0], [1], [0, 0, 1, 1], [], []>, transpose_lhs_hint = false} : vector<1x1024xf32>, vector<1024x768xf32>, vector<1x768xf32> -> vector<1x768xf32>
    %div3A_54 = vector.broadcast %reduce_sum3A_46 : f32 to vector<1x768xf32>
    %div3A_55 = arith.divf %dot_general3A_53, %div3A_54 : vector<1x768xf32>
    %concatenate3A = tpu.concatenate %div3A_22, %div3A_55 in 0 : vector<1x768xf32>, vector<1x768xf32> -> vector<2x768xf32>
    %swap3A = arith.constant 0 : index
    %swap3A_56 = arith.constant 0 : index
    %swap3A_57 = arith.constant 0 : index
    %swap3A_58 = vector.load %arg4[%swap3A, %swap3A_56, %swap3A_57] : memref<1x2x768xf32, #tpu.memory_space<vmem>>, vector<1x2x768xf32>
    %swap3A_59 = vector.shape_cast %swap3A_58 : vector<1x2x768xf32> to vector<2x768xf32>
    %swap3A_60 = vector.shape_cast %concatenate3A : vector<2x768xf32> to vector<1x2x768xf32>
    tpu.vector_store %arg4[%swap3A, %swap3A_56, %swap3A_57], %swap3A_60 {strides = array<i32>} : memref<1x2x768xf32, #tpu.memory_space<vmem>>, vector<1x2x768xf32>,
    return
  }
  func.func @transform_0(%arg0: i32, %arg1: memref<64xi32, #tpu.memory_space<smem>>) -> (i32, i32, i32) {
    %c0_i32 = arith.constant 0 : i32
    %c0_i32_0 = arith.constant 0 : i32
    %c0_i32_1 = arith.constant 0 : i32
    return %arg0, %c0_i32, %c0_i32_0 : i32, i32, i32
  }
  func.func @transform_1(%arg0: i32, %arg1: memref<64xi32, #tpu.memory_space<smem>>) -> (i32, i32, i32) {
    %c0_i32 = arith.constant 0 : i32
    %c0_i32_0 = arith.constant 0 : i32
    %c0_i32_1 = arith.constant 0 : i32
    return %arg0, %c0_i32, %c0_i32_0 : i32, i32, i32
  }
  func.func @transform_2(%arg0: i32, %arg1: memref<64xi32, #tpu.memory_space<smem>>) -> (i32, i32, i32) {
    %c0_i32 = arith.constant 0 : i32
    %c0_i32_0 = arith.constant 0 : i32
    %c0_i32_1 = arith.constant 0 : i32
    return %arg0, %c0_i32, %c0_i32_0 : i32, i32, i32
  }
}

</mosaic_0001>

<sc_bundles>
// kernel: kernel.5.cloned.1.call-start
scs
__scs_entry_jumppad:
0x0: {  	(pc) =	sbr.rel $0x88, $3  }
0x1: {  	(tag) =	ssettag $0x0;
	lr =	simm.s32 $0x1  }
0x2: {  	[smem:$0x3F9D] =	sst lr;
	_ =	strace $0xD0000000  }
0x3: {  	_ = 	snop  }
0x4: {  	_ = 	snop  }
0x5: {  	_ = 	snop  }
0x6: {  	_ = 	snop  }
0x7: {  	_ = 	snop  }
__scs_overlays_trampoline_lowered:
0x8: {  	[smem:$0x3FAC] =	sst s0  }
0x9: {  	[smem:$0x3FAD] =	sst s1  }
0xa: {  	[smem:$0x3FAE] =	sst s2  }
0xb: {  	[smem:$0x3FAF] =	sst s3  }
0xc: {  	[smem:$0x3FB0] =	sst s4  }
0xd: {  	[smem:$0x3FB1] =	sst s5  }
0xe: {  	[smem:$0x3FB2] =	sst s6  }
0xf: {  	[smem:$0x3FB3] =	sst s7  }
0x10: {  	[smem:$0x3FB4] =	sst s8  }
0x11: {  	[smem:$0x3FB5] =	sst s9;
	s0 =	simm.s32 @!p0 $0x0  }
0x12: {  	s1 =	sld [smem:$0x3F9B];
	s0 =	simm.s32 @p0 $0x1  }
0x13: {  	[smem:$0x3FB6] =	sst s0;
	s0 =	simm.s32 @!p1 $0x0  }
0x14: {  	s2 =	sld [smem:$0x3F9A];
	s0 =	simm.s32 @p1 $0x1  }
0x15: {  	[smem:$0x3FB7] =	sst s0;
	s0 =	simm.s32 @!p2 $0x0  }
0x16: {  	s3 =	sld [smem:$0x3FDB];
	s0 =	simm.s32 @p2 $0x1  }
0x17: {  	s4 =	simm.s32 $0x1BF5;
	[smem:$0x3FB9] =	sst s0  }
0x18: {  	s0 =	sld [smem:$0x3F9C];
	_ =	swait.ge [sflag:s4], $0x0  }
0x19: {  	s7 =	sld [smem:$0x3F9D]  }
0x1a: {  	s8 =	sadd.s32 $0xFFFFE003, lr  }
0x1b: {  	s9 =	sadd.s32 $0xFFFFFEF7, lr;
	s5 =	simm.s32 $0xFFFFFFFF;
	p2 =	slt.u32 s8, $0xFFFFF086  }
0x1c: {  	p1 =	slt.u32 s9, $0xF7A;
	s5 =	simm.s32 @!p2 $0x0  }
0x1d: {  	s5 =	simm.s32 @p1 $0x1;
	p0 =	seq.s32 s7, s2  }
0x1e: {  	s7 =	smul.u32 @!p0 $0xF7A, s2;
	p2 =	seq.s32 @!p0 s5, $0x0  }
0x1f: {  	s9 =	smul.u32 $0xF7A, s1;
	s8 =	simm.s32 @!p0 $0x1BF5;
	p2 =	por !p2, p0  }
0x20: {  	[sflag:s8] =	ssyncset.s32 @!p0 $0xFFFFF086;
	s6 =	sadd.s32 @!p0 s3, s7;
	s7 =	simm.s32 @!p0 $0x108  }
0x21: {  	s3 =	sadd.s32 s3, s9;
	s6 =	sadd.s32 @!p0 $0x88, s6;
	s7 =	simm.s32 @p2 $0x1082  }
0x22: {  	[simem:s7], [sflag:s8] =	dma.local @!p0 [hbm:s6], $0xF7A  }
0x23: {  	s9 =	sor.u32 $0xD0000000, s2;
	s6 =	simm.s32 $0x108;
	_ =	swait.ge @!p0 [sflag:s8], $0x0  }
0x24: {  	s3 =	sadd.s32 $0x88, s3;
	s6 =	simm.s32 @!p1 $0x1082;
	[sflag:s4] =	ssyncset.s32 $0xFFFFF086  }
0x25: {  	[simem:s6], [sflag:s4] =	dma.local [hbm:s3], $0xF7A  }
0x26: {  	[smem:$0x3F9D] =	sst s1;
	(tag) =	ssettag s2;
	_ =	strace s9  }
0x27: {  	s1 =	sld [smem:$0x3FAD]  }
0x28: {  	s2 =	sld [smem:$0x3FAE]  }
0x29: {  	s4 =	sld [smem:$0x3FB0]  }
0x2a: {  	p0 =	seq.s32 s5, $0x0;
	s5 =	sld [smem:$0x3FB1]  }
0x2b: {  	s6 =	sld [smem:$0x3FB2]  }
0x2c: {  	s7 =	sld [smem:$0x3FB3]  }
0x2d: {  	s3 =	simm.s32 $0x108;
	s8 =	sld [smem:$0x3FB4]  }
0x2e: {  	s3 =	simm.s32 @!p0 $0x1082;
	s9 =	sld [smem:$0x3FB5]  }
0x2f: {  	lr =	sadd.s32 s0, s3;
	s0 =	sld [smem:$0x3FAC]  }
0x30: {  	s3 =	sld [smem:$0x3FAF]  }
0x31: {  	[smem:$0x3FB8] =	sst s10  }
0x32: {  	s10 =	sld [smem:$0x3FB6];
	_ =	sdelay $0x3  }
0x33: {  	p0 =	seq.s32 s10, $0x1;
	s10 =	sld [smem:$0x3FB8];
	_ =	sdelay $0x3  }
0x34: {  	[smem:$0x3FB8] =	sst s10  }
0x35: {  	s10 =	sld [smem:$0x3FB7];
	_ =	sdelay $0x3  }
0x36: {  	p1 =	seq.s32 s10, $0x1;
	s10 =	sld [smem:$0x3FB8];
	_ =	sdelay $0x3  }
0x37: {  	[smem:$0x3FB8] =	sst s10  }
0x38: {  	s10 =	sld [smem:$0x3FB9]  }
0x39: {  	_ = 	snop;
	(pc) =	sbr.ind lr, $3  }
0x3a: {  	_ = 	snop  }
0x3b: {  	_ = 	snop  }
0x3c: {  	p2 =	seq.s32 s10, $0x1;
	s10 =	sld [smem:$0x3FB8]  }
0x3d: {  	_ =	shalt  }
0x3e: {  	_ =	shalt  }
0x3f: {  	_ =	shalt  }
0x40: {  	_ =	shalt  }
0x41: {  	_ =	shalt  }
0x42: {  	_ =	shalt  }
0x43: {  	_ =	shalt  }
0x44: {  	_ =	shalt  }
0x45: {  	_ =	shalt  }
0x46: {  	_ =	shalt  }
0x47: {  	_ =	shalt  }
0x48: {  	_ =	shalt  }
0x49: {  	_ =	shalt  }
0x4a: {  	_ =	shalt  }
0x4b: {  	_ =	shalt  }
0x4c: {  	_ =	shalt  }
0x4d: {  	_ =	shalt  }
0x4e: {  	_ =	shalt  }
0x4f: {  	_ =	shalt  }
0x50: {  	_ =	shalt  }
0x51: {  	_ =	shalt  }
0x52: {  	_ =	shalt  }
0x53: {  	_ =	shalt  }
0x54: {  	_ =	shalt  }
0x55: {  	_ =	shalt  }
0x56: {  	_ =	shalt  }
0x57: {  	_ =	shalt  }
0x58: {  	_ =	shalt  }
0x59: {  	_ =	shalt  }
0x5a: {  	_ =	shalt  }
0x5b: {  	_ =	shalt  }
0x5c: {  	_ =	shalt  }
0x5d: {  	_ =	shalt  }
0x5e: {  	_ =	shalt  }
0x5f: {  	_ =	shalt  }
0x60: {  	_ =	shalt  }
0x61: {  	_ =	shalt  }
0x62: {  	_ =	shalt  }
0x63: {  	_ =	shalt  }
0x64: {  	_ =	shalt  }
0x65: {  	_ =	shalt  }
0x66: {  	_ =	shalt  }
0x67: {  	_ =	shalt  }
0x68: {  	_ =	shalt  }
0x69: {  	_ =	shalt  }
0x6a: {  	_ =	shalt  }
0x6b: {  	_ =	shalt  }
0x6c: {  	_ =	shalt  }
0x6d: {  	_ =	shalt  }
0x6e: {  	_ =	shalt  }
0x6f: {  	_ =	shalt  }
0x70: {  	_ =	shalt  }
0x71: {  	_ =	shalt  }
0x72: {  	_ =	shalt  }
0x73: {  	_ =	shalt  }
0x74: {  	_ =	shalt  }
0x75: {  	_ =	shalt  }
0x76: {  	_ =	shalt  }
0x77: {  	_ =	shalt  }
0x78: {  	_ =	shalt  }
0x79: {  	_ =	shalt  }
0x7a: {  	_ =	shalt  }
0x7b: {  	_ =	shalt  }
0x7c: {  	_ =	shalt  }
0x7d: {  	_ =	shalt  }
0x7e: {  	_ =	shalt  }
0x7f: {  	_ =	shalt  }
0x80: {  	_ =	shalt  }
0x81: {  	_ =	shalt  }
0x82: {  	_ =	shalt  }
0x83: {  	_ =	shalt  }
0x84: {  	_ =	shalt  }
0x85: {  	_ =	shalt  }
0x86: {  	_ =	shalt  }
0x87: {  	_ =	shalt  }
.Lfunc_end0:
.L_simem_size_0:
called_computation_lowered:
.L_overlay_start_0:
0x88: {  	s2 =	sld [smem:$0x3FD9]  }
0x89: {  	s3 =	sld [smem:$0x3FFE];
	_ =	sdelay $0x1  }
0x8a: {  	s1 =	srdreg.scid  }
0x8b: {  	s0 =	sand.u32 $0x1, s1  }
0x8c: {  	s17 =	sshll.u32 s0, $0xA;
	s2 =	sadd.s32 s3, s2  }
0x8d: {  	s2 =	sadd.s32 s2, s17  }
0x8e: {  	[smem:$0x3FC4] =	sst s2  }
0x8f: {  	_ = 	snop  }
0x90: {  	s2 =	sld [smem:$0x3FD0];
	(tm) =	ssettm $0x1  }
0x91: {  	s18 =	sld [smem:$0x3FFB];
	_ =	sdelay $0x3  }
0x92: {  	_ =	strace s18  }
0x93: {  	s3 =	sld [smem:$0x3FFC];
	_ =	sdelay $0x3  }
0x94: {  	_ =	strace s3  }
0x95: {  	s3 =	sld [smem:$0x3FFD];
	_ =	sdelay $0x3  }
0x96: {  	_ =	strace s3  }
0x97: {  	_ =	strace $0x8FFFFFFF  }
0x98: {  	s19 =	sld [smem:$0x3FDB];
	_ =	sdelay $0x1  }
0x99: {  	s4 =	simm.s32 $_scs_section_size  }
0x9a: {  	s5 =	simm.s32 $_size__tile_overlayer_lowered;
	s6 =	simm.s32 $_tile_overlayer_lowered  }
0x9b: {  	s22 =	simm.s32 $0x1BFF;
	s21 =	sshll.u32 s6, $0x1;
	s3 =	sadd.s32 s4, s19  }
0x9c: {  	s7 =	simm.s32 $0x0;
	s20 =	sshll.u32 s5, $0x1;
	s5 =	sadd.s32 s21, s3  }
0x9d: {  	[timem:s7], [sflag:s22] =	dma.local [hbm:s5], s20  }
0x9e: {  	_ =	swait.ge [sflag:s22], s20  }
0x9f: {  	s4 =	ssub.s32 $0x0, s20;
	[sflag:s22] =	ssyncset.done $0x0  }
0xa0: {  	[sflag:s22] =	ssyncadd.s32 s4;
	_ =	sdelay $0x1  }
0xa1: {  	s23 =	simm.s32 $0x1B8B  }
0xa2: {  	_ =	swait.ge [sflag:s23], $0x1  }
0xa3: {  	[sflag:s23] =	ssyncset.done $0x0  }
0xa4: {  	s25 =	simm.s32 $0x1B8E;
	s24 =	sld [smem:$0x3FFE];
	[sflag:s23] =	ssyncadd.s32 $0xFFFFFFFF  }
0xa5: {  	s26 =	simm.s32 $execute0_lowered;
	[smem:$0x3FD2] =	sst s25  }
0xa6: {  	s5 =	sshll.u32 s26, $0x1;
	_ =	strace $0x80000046;
	[dreg:$0x1] =	wrdreg $0xFFFFFFFF  }
0xa7: {  	s28 =	simm.s32 $_size_execute0_lowered;
	s3 =	sadd.s32 s3, s5;
	[dreg:$0x0] =	wrdreg $0x0  }
0xa8: {  	s5 =	sshll.u32 s28, $0x1;
	[dreg:$0x2] =	wrdreg s3  }
0xa9: {  	[dreg:$0x3] =	wrdreg s5  }
0xaa: {  	[dreg:$0x4] =	wrdreg $0xC0  }
0xab: {  	_ =	task [dreg:s7], $0x5FFFF  }
0xac: {  	[dreg:$0x1] =	wrdreg $0xFFFFFFFF  }
0xad: {  	[dreg:$0x0] =	wrdreg $0x60  }
0xae: {  	[dreg:$0x2] =	wrdreg s24  }
0xaf: {  	[dreg:$0x3] =	wrdreg s2  }
0xb0: {  	[dreg:$0x4] =	wrdreg $0x9  }
0xb1: {  	_ =	task.clear_ibuf [dreg:s7], $0x5FFFF;
	_ =	strace $0x90000046  }
0xb2: {  	s29 =	simm.s32 $0x9;
	_ =	strace $0x80000048  }
0xb3: {  	_ =	swait.ge [sflag:s29], $0x1  }
0xb4: {  	[sflag:s29] =	ssyncadd.s32 $0xFFFFFFFF  }
0xb5: {  	_ =	strace $0x90000048  }
0xb6: {  	_ =	sfence  }
0xb7: {  	s30 =	sld [smem:$0x0];
	_ =	sdelay $0x2  }
0xb8: {  	s31 =	sshll.u32 s1, $0xD;
	s1 =	sshrl.u32 s1, $0x2  }
0xb9: {  	s3 =	sand.u32 $0x4000, s31;
	s1 =	sadd.s32 s1, s30  }
0xba: {  	s0 =	sor.u32 s3, s0;
	s1 =	sshll.u32 s1, $0x11  }
0xbb: {  	s0 =	sor.u32 s1, s0  }
0xbc: {  	s0 =	sadd.s32 $0x8F2B, s0  }
0xbd: {  	[sflag:s0] =	ssyncadd.remote.s32 $0x1  }
0xbe: {  	_ =	sfence.sel $0xFFFF  }
0xbf: {  	[dreg:$0x0] =	wrdreg $0xFFFFFFFF;
	(pc) =	sbr.abs _section_cstart, $3  }
0xc0: {  	[dreg:$0x1] =	wrdreg $0xFFFFFFFF  }
0xc1: {  	_ =	task.clear_ibuf [dreg:s7], $0x2FFFF;
	_ =	strace $0x9FFFFFFF  }
0xc2: {  	(tm) =	ssettm $0x7FFFFFFF  }
0xc3: {  	_ =	shalt  }
tec
execute0_lowered:
.L_overlay_start_1:
0x0: {  	(tag) =	ssettag $0x1  }
0x1: {  	s0 =	rddreg [dreg:$0x0]  }
0x2: {  	s9 =	rddreg [dreg:$0x1]  }
0x3: {  	s2 =	simm.s32 $0x0;
	s3 =	srdreg.scid;
	s7 =	stileid.u32  }
0x4: {  	[smem:$0x7FF] =	sst s2;
	s1 =	sadd.s32 $0x2E00, s0;
	s3 =	sand.u32 $0x1, s3  }
0x5: {  	s6 =	sshll.u32 s7, $0x6;
	s7 =	sshll.u32 s7, $0x9;
	s10 =	sadd.s32 $0x10, s9  }
0x6: {  	s5 =	ssub.s32 $0x2, s3;
	s3 =	sshll.u32 s3, $0x5;
	s6 =	sand.u32 $0x40, s6  }
0x7: {  	s7 =	sand.u32 $0x1C00, s7;
	s8 =	sshrl.u32 s5, $0x1;
	s3 =	sor.u32 s3, s6  }
0x8: {  	_ =	strace $0x80000047;
	s11 =	ssub.s32 s5, s8;
	s3 =	sor.u32 s7, s3  }
0x9: {  	[dreg:$0x3] =	wrdreg s10;
	s5 =	sadd.s32 s1, s3;
	s11 =	smax.u32 s11, $0x1  }
0xa: {  	[dreg:$0x4] =	wrdreg s11;
	s12 =	sadd.s32 $0x80, s5  }
0xb: {  	s13 =	sadd.s32 $0x100, s5;
	[dreg:$0x5] =	wrdreg s12  }
0xc: {  	s14 =	sadd.s32 $0x180, s5;
	[dreg:$0x6] =	wrdreg s13  }
0xd: {  	s15 =	sadd.s32 $0x200, s5;
	[dreg:$0x7] =	wrdreg s14  }
0xe: {  	s16 =	sadd.s32 $0x280, s5;
	[dreg:$0x8] =	wrdreg s15  }
0xf: {  	s4 =	sadd.s32 $0xE00, s0;
	s17 =	sadd.s32 $0x300, s5;
	[dreg:$0x9] =	wrdreg s16  }
0x10: {  	s6 =	sadd.s32 s4, s3;
	s18 =	sadd.s32 $0x380, s5;
	[dreg:$0xa] =	wrdreg s17  }
0x11: {  	s19 =	sadd.s32 $0x80, s6;
	[dreg:$0xb] =	wrdreg s18  }
0x12: {  	s20 =	sadd.s32 $0x100, s6;
	[dreg:$0xc] =	wrdreg s19  }
0x13: {  	s0 =	sadd.s32 $0x4E00, s0;
	s21 =	sadd.s32 $0x180, s6;
	[dreg:$0xd] =	wrdreg s20  }
0x14: {  	s10 =	sor.u32 $0x10, s3;
	s22 =	sadd.s32 $0x200, s6;
	[dreg:$0xe] =	wrdreg s21  }
0x15: {  	s9 =	sadd.s32 s0, s3;
	s23 =	sadd.s32 $0x280, s6;
	[dreg:$0xf] =	wrdreg s22  }
0x16: {  	s7 =	sadd.s32 s1, s10;
	s24 =	sadd.s32 $0x300, s6;
	[dreg:$0x10] =	wrdreg s23  }
0x17: {  	s8 =	sadd.s32 s4, s10;
	s25 =	sadd.s32 $0x380, s6;
	[dreg:$0x11] =	wrdreg s24  }
0x18: {  	s10 =	sadd.s32 s0, s10;
	[dreg:$0x12] =	wrdreg s25;
	s26 =	sadd.s32 $0x80, s7  }
0x19: {  	s28 =	sadd.s32 $0x100, s7;
	s29 =	sadd.s32 $0x180, s7;
	s30 =	sadd.s32 $0x200, s7  }
0x1a: {  	s31 =	sadd.s32 $0x280, s7;
	s0 =	sadd.s32 $0x300, s7;
	s3 =	sadd.s32 $0x380, s7  }
0x1b: {  	s1 =	sadd.s32 $0x80, s8;
	s4 =	sadd.s32 $0x100, s8;
	s11 =	sadd.s32 $0x180, s8  }
0x1c: {  	s12 =	sadd.s32 $0x200, s8;
	s13 =	sadd.s32 $0x280, s8;
	s14 =	sadd.s32 $0x300, s8  }
0x1d: {  	s15 =	sadd.s32 $0x380, s8;
	s16 =	simm.s32 $0x80;
	s17 =	simm.s32 $0x100  }
0x1e: {  	s18 =	simm.s32 $0x180;
	s19 =	simm.s32 $0x1;
	[dreg:$0x13] =	wrdreg s26  }
0x1f: {  	s20 =	simm.s32 $0x2;
	s21 =	simm.s32 $0x0;
	[dreg:$0x14] =	wrdreg s28  }
.LBB2_1:
0x20: {  	s22 =	rddreg [dreg:$0x1]  }
0x21: {  	[tilespmem:s2], [sflag:$0x1] =	stream.strided.gather [hbm4b:s22+s16], $0x180, s17, s16, $0x38;
	[tilespmem:$0x1B00] =	vst v63  }
0x22: {  	s23 =	rddreg [dreg:$0x3]  }
0x23: {  	[tilespmem:s18], [sflag:$0x1] =	stream.strided.gather [hbm4b:s23+s16], $0x180, s17, s16, $0x38;
	[tilespmem:$0x1B00] =	vst v63  }
0x24: {  	s24 =	simm.s32 $0x300  }
0x25: {  	[tilespmem:s24], [sflag:$0x1] =	stream.linear.gather [hbm4b:s5+s2], $0x80, $0x38;
	[tilespmem:$0x1B00] =	vst v63  }
0x26: {  	s25 =	rddreg [dreg:$0x5];
	s23 =	simm.s32 $0x400  }
0x27: {  	[tilespmem:s23], [sflag:$0x1] =	stream.linear.gather [hbm4b:s25+s2], $0x80, $0x38;
	[tilespmem:$0x1B00] =	vst v63  }
0x28: {  	s26 =	rddreg [dreg:$0x6];
	s28 =	simm.s32 $0x500  }
0x29: {  	[tilespmem:s28], [sflag:$0x1] =	stream.linear.gather [hbm4b:s26+s2], $0x80, $0x38;
	[tilespmem:$0x1B00] =	vst v63  }
0x2a: {  	s24 =	rddreg [dreg:$0x7];
	s25 =	simm.s32 $0x600  }
0x2b: {  	[tilespmem:s25], [sflag:$0x1] =	stream.linear.gather [hbm4b:s24+s2], $0x80, $0x38;
	[tilespmem:$0x1B00] =	vst v63  }
0x2c: {  	s26 =	rddreg [dreg:$0x8];
	s28 =	simm.s32 $0x700  }
0x2d: {  	[tilespmem:s28], [sflag:$0x1] =	stream.linear.gather [hbm4b:s26+s2], $0x80, $0x38;
	[tilespmem:$0x1B00] =	vst v63  }
0x2e: {  	s24 =	rddreg [dreg:$0x9];
	s25 =	simm.s32 $0x800  }
0x2f: {  	[tilespmem:s25], [sflag:$0x1] =	stream.linear.gather [hbm4b:s24+s2], $0x80, $0x38;
	[tilespmem:$0x1B00] =	vst v63  }
0x30: {  	s26 =	rddreg [dreg:$0xa];
	s28 =	simm.s32 $0x900  }
0x31: {  	[tilespmem:s28], [sflag:$0x1] =	stream.linear.gather [hbm4b:s26+s2], $0x80, $0x38;
	[tilespmem:$0x1B00] =	vst v63  }
0x32: {  	s23 =	rddreg [dreg:$0xb];
	s24 =	simm.s32 $0xA00  }
0x33: {  	[tilespmem:s24], [sflag:$0x1] =	stream.linear.gather [hbm4b:s23+s2], $0x80, $0x38;
	[tilespmem:$0x1B00] =	vst v63  }
0x34: {  	s25 =	simm.s32 $0xB00  }
0x35: {  	[tilespmem:s25], [sflag:$0x1] =	stream.linear.gather [hbm4b:s6+s2], $0x80, $0x38;
	[tilespmem:$0x1B00] =	vst v63  }
0x36: {  	s26 =	rddreg [dreg:$0xc];
	s28 =	simm.s32 $0xC00  }
0x37: {  	[tilespmem:s28], [sflag:$0x1] =	stream.linear.gather [hbm4b:s26+s2], $0x80, $0x38;
	[tilespmem:$0x1B00] =	vst v63  }
0x38: {  	s24 =	rddreg [dreg:$0xd];
	s25 =	simm.s32 $0xD00  }
0x39: {  	[tilespmem:s25], [sflag:$0x1] =	stream.linear.gather [hbm4b:s24+s2], $0x80, $0x38;
	[tilespmem:$0x1B00] =	vst v63  }
0x3a: {  	s26 =	rddreg [dreg:$0xe];
	s28 =	simm.s32 $0xE00  }
0x3b: {  	[tilespmem:s28], [sflag:$0x1] =	stream.linear.gather [hbm4b:s26+s2], $0x80, $0x38;
	[tilespmem:$0x1B00] =	vst v63  }
0x3c: {  	s24 =	rddreg [dreg:$0xf];
	s25 =	simm.s32 $0xF00  }
0x3d: {  	[tilespmem:s25], [sflag:$0x1] =	stream.linear.gather [hbm4b:s24+s2], $0x80, $0x38;
	[tilespmem:$0x1B00] =	vst v63  }
0x3e: {  	s26 =	rddreg [dreg:$0x10];
	s28 =	simm.s32 $0x1000  }
0x3f: {  	[tilespmem:s28], [sflag:$0x1] =	stream.linear.gather [hbm4b:s26+s2], $0x80, $0x38;
	[tilespmem:$0x1B00] =	vst v63  }
0x40: {  	s24 =	rddreg [dreg:$0x11];
	s25 =	simm.s32 $0x1100  }
0x41: {  	[tilespmem:s25], [sflag:$0x1] =	stream.linear.gather [hbm4b:s24+s2], $0x80, $0x38;
	[tilespmem:$0x1B00] =	vst v63  }
0x42: {  	s26 =	rddreg [dreg:$0x12];
	s28 =	simm.s32 $0x1200  }
0x43: {  	[tilespmem:s28], [sflag:$0x1] =	stream.linear.gather [hbm4b:s26+s2], $0x80, $0x38;
	[tilespmem:$0x1B00] =	vst v63  }
0x44: {  	s23 =	simm.s32 $0x380  }
0x45: {  	[tilespmem:s23], [sflag:$0x1] =	stream.linear.gather [hbm4b:s7+s2], $0x80, $0x38;
	[tilespmem:$0x1B00] =	vst v63  }
0x46: {  	s24 =	rddreg [dreg:$0x13];
	s25 =	simm.s32 $0x480  }
0x47: {  	[tilespmem:s25], [sflag:$0x1] =	stream.linear.gather [hbm4b:s24+s2], $0x80, $0x38;
	[tilespmem:$0x1B00] =	vst v63  }
0x48: {  	s26 =	rddreg [dreg:$0x14];
	s28 =	simm.s32 $0x580  }
0x49: {  	[tilespmem:s28], [sflag:$0x1] =	stream.linear.gather [hbm4b:s26+s2], $0x80, $0x38;
	[tilespmem:$0x1B00] =	vst v63  }
0x4a: {  	s23 =	simm.s32 $0x680  }
0x4b: {  	[tilespmem:s23], [sflag:$0x1] =	stream.linear.gather [hbm4b:s29+s2], $0x80, $0x38;
	[tilespmem:$0x1B00] =	vst v63  }
0x4c: {  	s24 =	simm.s32 $0x780  }
0x4d: {  	[tilespmem:s24], [sflag:$0x1] =	stream.linear.gather [hbm4b:s30+s2], $0x80, $0x38;
	[tilespmem:$0x1B00] =	vst v63  }
0x4e: {  	s25 =	simm.s32 $0x880  }
0x4f: {  	[tilespmem:s25], [sflag:$0x1] =	stream.linear.gather [hbm4b:s31+s2], $0x80, $0x38;
	[tilespmem:$0x1B00] =	vst v63  }
0x50: {  	s26 =	simm.s32 $0x980  }
0x51: {  	[tilespmem:s26], [sflag:$0x1] =	stream.linear.gather [hbm4b:s0+s2], $0x80, $0x38;
	[tilespmem:$0x1B00] =	vst v63  }
0x52: {  	s28 =	simm.s32 $0xA80  }
0x53: {  	[tilespmem:s28], [sflag:$0x1] =	stream.linear.gather [hbm4b:s3+s2], $0x80, $0x38;
	[tilespmem:$0x1B00] =	vst v63  }
0x54: {  	s23 =	simm.s32 $0xB80  }
0x55: {  	[tilespmem:s23], [sflag:$0x1] =	stream.linear.gather [hbm4b:s8+s2], $0x80, $0x38;
	[tilespmem:$0x1B00] =	vst v63  }
0x56: {  	s24 =	simm.s32 $0xC80  }
0x57: {  	[tilespmem:s24], [sflag:$0x1] =	stream.linear.gather [hbm4b:s1+s2], $0x80, $0x38;
	[tilespmem:$0x1B00] =	vst v63  }
0x58: {  	s25 =	simm.s32 $0xD80  }
0x59: {  	[tilespmem:s25], [sflag:$0x1] =	stream.linear.gather [hbm4b:s4+s2], $0x80, $0x38;
	[tilespmem:$0x1B00] =	vst v63  }
0x5a: {  	s26 =	simm.s32 $0xE80  }
0x5b: {  	[tilespmem:s26], [sflag:$0x1] =	stream.linear.gather [hbm4b:s11+s2], $0x80, $0x38;
	[tilespmem:$0x1B00] =	vst v63  }
0x5c: {  	s28 =	simm.s32 $0xF80  }
0x5d: {  	[tilespmem:s28], [sflag:$0x1] =	stream.linear.gather [hbm4b:s12+s2], $0x80, $0x38;
	[tilespmem:$0x1B00] =	vst v63  }
0x5e: {  	s23 =	simm.s32 $0x1080  }
0x5f: {  	[tilespmem:s23], [sflag:$0x1] =	stream.linear.gather [hbm4b:s13+s2], $0x80, $0x38;
	[tilespmem:$0x1B00] =	vst v63  }
0x60: {  	s24 =	simm.s32 $0x1180  }
0x61: {  	[tilespmem:s24], [sflag:$0x1] =	stream.linear.gather [hbm4b:s14+s2], $0x80, $0x38;
	[tilespmem:$0x1B00] =	vst v63  }
0x62: {  	s25 =	simm.s32 $0x1280  }
0x63: {  	[tilespmem:s25], [sflag:$0x1] =	stream.linear.gather [hbm4b:s15+s2], $0x80, $0x38;
	[tilespmem:$0x1B00] =	vst v63  }
0x64: {  	_ =	swait.ge [sflag:s19], $0x180  }
0x65: {  	[sflag:s19] =	ssyncset.done $0x0  }
0x66: {  	[sflag:s19] =	ssyncadd.s32 $0xFFFFFE80  }
0x67: {  	_ =	swait.ge [sflag:s19], $0x180  }
0x68: {  	[sflag:s19] =	ssyncset.done $0x0  }
0x69: {  	[sflag:s19] =	ssyncadd.s32 $0xFFFFFE80  }
0x6a: {  	_ =	swait.ge [sflag:s19], $0x400  }
0x6b: {  	[sflag:s19] =	ssyncset.done $0x0  }
0x6c: {  	[sflag:s19] =	ssyncadd.s32 $0xFFFFFC00  }
0x6d: {  	_ =	swait.ge [sflag:s19], $0x400  }
0x6e: {  	[sflag:s19] =	ssyncset.done $0x0  }
0x6f: {  	[sflag:s19] =	ssyncadd.s32 $0xFFFFFC00  }
0x70: {  	_ =	swait.ge [sflag:s19], $0x400  }
0x71: {  	[sflag:s19] =	ssyncset.done $0x0  }
0x72: {  	[sflag:s19] =	ssyncadd.s32 $0xFFFFFC00  }
0x73: {  	_ =	swait.ge [sflag:s19], $0x400  }
0x74: {  	s26 =	sand.u32 $0x40, s2;
	s28 =	sand.u32 $0x700, s2;
	[sflag:s19] =	ssyncset.done $0x0  }
0x75: {  	s22 =	sor.u32 s26, s28;
	[sflag:s19] =	ssyncadd.s32 $0xFFFFFC00  }
0x76: {  	v0 =	vld [tilespmem:s22+$0x300]  }
0x77: {  	v1 =	vld [tilespmem:s22+$0xB00];
	_ =	sdelay $0x5  }
0x78: {  	v2 =	vld [tilespmem:s22+$0x310]  }
0x79: {  	v0 =	vld.idx.msk [tilespmem:v0+s2+$0x0], $0xffff  }
0x7a: {  	v1 =	vld.idx.msk [tilespmem:v1+s18+$0x0], $0xffff  }
0x7b: {  	v3 =	vld [tilespmem:s22+$0xB10];
	_ =	sdelay $0x3  }
0x7c: {  	v0 =	vadd.f32 v1, v0;
	_ =	sdelay $0x1  }
0x7d: {  	[tilespmem:s22+$0x1300] =	vst v0  }
0x7e: {  	v0 =	vld.idx.msk [tilespmem:v2+s2+$0x0], $0xffff  }
0x7f: {  	v1 =	vld.idx.msk [tilespmem:v3+s18+$0x0], $0xffff  }
0x80: {  	v2 =	vld [tilespmem:s22+$0x320]  }
0x81: {  	v3 =	vld [tilespmem:s22+$0xB20];
	_ =	sdelay $0x3  }
0x82: {  	v0 =	vadd.f32 v1, v0;
	_ =	sdelay $0x1  }
0x83: {  	[tilespmem:s22+$0x1310] =	vst v0  }
0x84: {  	v0 =	vld.idx.msk [tilespmem:v2+s2+$0x0], $0xffff  }
0x85: {  	v1 =	vld.idx.msk [tilespmem:v3+s18+$0x0], $0xffff  }
0x86: {  	v2 =	vld [tilespmem:s22+$0x330]  }
0x87: {  	v3 =	vld [tilespmem:s22+$0xB30];
	_ =	sdelay $0x3  }
0x88: {  	v0 =	vadd.f32 v1, v0;
	_ =	sdelay $0x1  }
0x89: {  	s23 =	simm.s32 $0x80;
	s24 =	simm.s32 $0x40;
	[tilespmem:s22+$0x1320] =	vst v0  }
0x8a: {  	s26 =	sand.u32 $0x700, s23;
	s25 =	sand.u32 $0x40, s24;
	v2 =	vld.idx.msk [tilespmem:v2+s2+$0x0], $0xffff  }
0x8b: {  	s26 =	sor.u32 s25, s26;
	v3 =	vld.idx.msk [tilespmem:v3+s18+$0x0], $0xffff  }
0x8c: {  	v0 =	vld [tilespmem:s26+$0x300]  }
0x8d: {  	s25 =	simm.s32 $0x4;
	v1 =	vld [tilespmem:s26+$0xB00]  }
.LBB2_2:
0x8e: {  	_ = 	snop  }
0x8f: {  	s25 =	sadd.s32 $0x4, s25  }
0x90: {  	p0 =	slt.u32 s25, $0x3C  }
0x91: {  	v2 =	vadd.f32 v3, v2;
	_ =	sdelay $0x1  }
0x92: {  	v3 =	vld [tilespmem:s26+$0xB10];
	[tilespmem:s22+$0x1330] =	vst v2;
	s22 =	smov.u32 s26  }
0x93: {  	v0 =	vld.idx.msk [tilespmem:v0+s2+$0x0], $0xffff  }
0x94: {  	v1 =	vld.idx.msk [tilespmem:v1+s18+$0x0], $0xffff  }
0x95: {  	v2 =	vld [tilespmem:s22+$0x310];
	_ =	sdelay $0x4  }
0x96: {  	v0 =	vadd.f32 v1, v0;
	_ =	sdelay $0x1  }
0x97: {  	[tilespmem:s22+$0x1300] =	vst v0;
	v0 =	vld [tilespmem:s22+$0xB20]  }
0x98: {  	v1 =	vld.idx.msk [tilespmem:v2+s2+$0x0], $0xffff  }
0x99: {  	v2 =	vld.idx.msk [tilespmem:v3+s18+$0x0], $0xffff  }
0x9a: {  	v3 =	vld [tilespmem:s22+$0x320];
	_ =	sdelay $0x4  }
0x9b: {  	v1 =	vadd.f32 v2, v1;
	_ =	sdelay $0x1  }
0x9c: {  	[tilespmem:s22+$0x1310] =	vst v1;
	v1 =	vld [tilespmem:s22+$0xB30]  }
0x9d: {  	v2 =	vld.idx.msk [tilespmem:v3+s2+$0x0], $0xffff  }
0x9e: {  	v0 =	vld.idx.msk [tilespmem:v0+s18+$0x0], $0xffff  }
0x9f: {  	v3 =	vld [tilespmem:s22+$0x330];
	_ =	sdelay $0x4  }
0xa0: {  	v0 =	vadd.f32 v0, v2;
	_ =	sdelay $0x1  }
.Ltmp0:
0xa1: {  	s23 =	sadd.s32 $0x80, s23;
	s24 =	sadd.s32 $0x40, s24;
	[tilespmem:s22+$0x1320] =	vst v0;
	(pc) =	sbr.rel @p0 .LBB2_2-.Ltmp0, $4  }
0xa2: {  	s28 =	sand.u32 $0x700, s23;
	s26 =	sand.u32 $0x40, s24;
	v2 =	vld.idx.msk [tilespmem:v3+s2+$0x0], $0xffff  }
0xa3: {  	s26 =	sor.u32 s26, s28;
	v3 =	vld.idx.msk [tilespmem:v1+s18+$0x0], $0xffff  }
0xa4: {  	v0 =	vld [tilespmem:s26+$0x300]  }
0xa5: {  	v1 =	vld [tilespmem:s26+$0xB00]  }
0xa6: {  	_ =	sdelay $0x3  }
0xa7: {  	v2 =	vadd.f32 v3, v2;
	_ =	sdelay $0x1  }
0xa8: {  	v56 =	vld [tilespmem:s26+$0xB10];
	[tilespmem:s22+$0x1330] =	vst v2  }
0xa9: {  	v0 =	vld.idx.msk [tilespmem:v0+s2+$0x0], $0xffff  }
0xaa: {  	v1 =	vld.idx.msk [tilespmem:v1+s18+$0x0], $0xffff  }
0xab: {  	v2 =	vld [tilespmem:s26+$0x310];
	_ =	sdelay $0x4  }
0xac: {  	v0 =	vadd.f32 v1, v0;
	_ =	sdelay $0x1  }
0xad: {  	v58 =	vld [tilespmem:s26+$0x320];
	[tilespmem:s26+$0x1300] =	vst v0  }
0xae: {  	v0 =	vld.idx.msk [tilespmem:v2+s2+$0x0], $0xffff  }
0xaf: {  	v57 =	vld.idx.msk [tilespmem:v56+s18+$0x0], $0xffff  }
0xb0: {  	v59 =	vld [tilespmem:s26+$0xB20];
	_ =	sdelay $0x3  }
0xb1: {  	v0 =	vadd.f32 v57, v0;
	_ =	sdelay $0x1  }
0xb2: {  	v61 =	vld [tilespmem:s26+$0x330];
	[tilespmem:s26+$0x1310] =	vst v0  }
0xb3: {  	v0 =	vld.idx.msk [tilespmem:v58+s2+$0x0], $0xffff  }
0xb4: {  	v60 =	vld.idx.msk [tilespmem:v59+s18+$0x0], $0xffff  }
0xb5: {  	v62 =	vld [tilespmem:s26+$0xB30];
	_ =	sdelay $0x3  }
0xb6: {  	v0 =	vadd.f32 v60, v0;
	_ =	sdelay $0x1  }
0xb7: {  	[tilespmem:s26+$0x1320] =	vst v0  }
0xb8: {  	v0 =	vld.idx.msk [tilespmem:v61+s2+$0x0], $0xffff  }
0xb9: {  	v63 =	vld.idx.msk [tilespmem:v62+s18+$0x0], $0xffff;
	_ =	sdelay $0x4  }
0xba: {  	v0 =	vadd.f32 v63, v0;
	_ =	sdelay $0x1  }
0xbb: {  	s23 =	simm.s32 $0x1300;
	s22 =	simm.s32 $0x0;
	[tilespmem:s26+$0x1330] =	vst v0  }
0xbc: {  	[hbm4b:s9+s22] =	stream.linear.scatter [tilespmem:s23], [sflag:$0x2], $0x80, $0x38;
	[tilespmem:$0x1B00] =	vst v63  }
0xbd: {  	s28 =	sadd.s32 $0x80, s9;
	s24 =	simm.s32 $0x1400  }
0xbe: {  	[hbm4b:s28+s22] =	stream.linear.scatter [tilespmem:s24], [sflag:$0x2], $0x80, $0x38;
	[tilespmem:$0x1B00] =	vst v63  }
0xbf: {  	s25 =	simm.s32 $0x1500;
	s24 =	sadd.s32 $0x100, s9  }
0xc0: {  	[hbm4b:s24+s22] =	stream.linear.scatter [tilespmem:s25], [sflag:$0x2], $0x80, $0x38;
	[tilespmem:$0x1B00] =	vst v63  }
0xc1: {  	s26 =	sadd.s32 $0x180, s9;
	s28 =	simm.s32 $0x1600  }
0xc2: {  	[hbm4b:s26+s22] =	stream.linear.scatter [tilespmem:s28], [sflag:$0x2], $0x80, $0x38;
	[tilespmem:$0x1B00] =	vst v63  }
0xc3: {  	s24 =	sadd.s32 $0x200, s9;
	s25 =	simm.s32 $0x1700  }
0xc4: {  	[hbm4b:s24+s22] =	stream.linear.scatter [tilespmem:s25], [sflag:$0x2], $0x80, $0x38;
	[tilespmem:$0x1B00] =	vst v63  }
0xc5: {  	s26 =	sadd.s32 $0x280, s9;
	s28 =	simm.s32 $0x1800  }
0xc6: {  	[hbm4b:s26+s22] =	stream.linear.scatter [tilespmem:s28], [sflag:$0x2], $0x80, $0x38;
	[tilespmem:$0x1B00] =	vst v63  }
0xc7: {  	p0 =	por $0x0, $0x0;
	s24 =	sadd.s32 $0x300, s9;
	s25 =	simm.s32 $0x1900  }
0xc8: {  	[hbm4b:s24+s22] =	stream.linear.scatter [tilespmem:s25], [sflag:$0x2], $0x80, $0x38;
	[tilespmem:$0x1B00] =	vst v63  }
0xc9: {  	s23 =	simm.s32 $0xFFFFFFFC;
	s26 =	sadd.s32 $0x380, s9;
	s28 =	simm.s32 $0x1A00  }
0xca: {  	[hbm4b:s26+s22] =	stream.linear.scatter [tilespmem:s28], [sflag:$0x2], $0x80, $0x38;
	[tilespmem:$0x1B00] =	vst v63  }
.LBB2_4:
0xcb: {  	s24 =	simm.s32 $0x1  }
0xcc: {  	s24 =	simm.s32 @!p0 $0x0  }
0xcd: {  	s24 =	sshll.u32 s24, $0x6  }
0xce: {  	s24 =	sadd.s32 s24, s22  }
0xcf: {  	s25 =	sor.u32 $0x80, s24  }
0xd0: {  	v0 =	vld [tilespmem:s25+$0x300]  }
0xd1: {  	v1 =	vld [tilespmem:s25+$0xB00];
	_ =	sdelay $0x6  }
0xd2: {  	v0 =	vld.idx.msk [tilespmem:v0+s2+$0x0], $0xffff  }
0xd3: {  	v1 =	vld.idx.msk [tilespmem:v1+s18+$0x0], $0xffff;
	_ =	sdelay $0x4  }
0xd4: {  	v0 =	vadd.f32 v1, v0;
	_ =	sdelay $0x1  }
0xd5: {  	s26 =	sor.u32 $0x90, s24;
	[tilespmem:s25+$0x1300] =	vst v0  }
0xd6: {  	v0 =	vld [tilespmem:s26+$0x300]  }
0xd7: {  	v61 =	vld [tilespmem:s26+$0xB00];
	_ =	sdelay $0x6  }
0xd8: {  	v0 =	vld.idx.msk [tilespmem:v0+s2+$0x0], $0xffff  }
0xd9: {  	v1 =	vld.idx.msk [tilespmem:v61+s18+$0x0], $0xffff;
	_ =	sdelay $0x4  }
0xda: {  	v0 =	vadd.f32 v1, v0;
	_ =	sdelay $0x1  }
0xdb: {  	s28 =	sor.u32 $0xA0, s24;
	[tilespmem:s26+$0x1300] =	vst v0  }
0xdc: {  	v0 =	vld [tilespmem:s28+$0x300]  }
0xdd: {  	v62 =	vld [tilespmem:s28+$0xB00];
	_ =	sdelay $0x6  }
0xde: {  	v0 =	vld.idx.msk [tilespmem:v0+s2+$0x0], $0xffff  }
0xdf: {  	v1 =	vld.idx.msk [tilespmem:v62+s18+$0x0], $0xffff;
	_ =	sdelay $0x4  }
0xe0: {  	v0 =	vadd.f32 v1, v0;
	_ =	sdelay $0x1  }
0xe1: {  	s24 =	sor.u32 $0xB0, s24;
	[tilespmem:s28+$0x1300] =	vst v0  }
0xe2: {  	v0 =	vld [tilespmem:s24+$0x300]  }
0xe3: {  	v63 =	vld [tilespmem:s24+$0xB00];
	_ =	sdelay $0x6  }
0xe4: {  	v0 =	vld.idx.msk [tilespmem:v0+s2+$0x0], $0xffff  }
0xe5: {  	v1 =	vld.idx.msk [tilespmem:v63+s18+$0x0], $0xffff  }
0xe6: {  	s23 =	sadd.s32 $0x4, s23  }
0xe7: {  	p1 =	slt.u32 s23, $0x3C  }
.Ltmp1:
0xe8: {  	_ = 	snop;
	(pc) =	sbr.rel @p1 .LBB2_4-.Ltmp1, $3  }
0xe9: {  	_ = 	snop  }
0xea: {  	v0 =	vadd.f32 v1, v0;
	_ =	sdelay $0x1  }
0xeb: {  	p0 =	por !p0, !p0;
	s22 =	sadd.s32 $0x80, s22;
	[tilespmem:s24+$0x1300] =	vst v0  }
0xec: {  	s22 =	simm.s32 $0x1380  }
0xed: {  	[hbm4b:s10+s2] =	stream.linear.scatter [tilespmem:s22], [sflag:$0x2], $0x80, $0x38;
	[tilespmem:$0x1B00] =	vst v63  }
0xee: {  	s28 =	sadd.s32 $0x80, s10;
	s23 =	simm.s32 $0x1480  }
0xef: {  	[hbm4b:s28+s2] =	stream.linear.scatter [tilespmem:s23], [sflag:$0x2], $0x80, $0x38;
	[tilespmem:$0x1B00] =	vst v63  }
0xf0: {  	s24 =	sadd.s32 $0x100, s10;
	s25 =	simm.s32 $0x1580  }
0xf1: {  	[hbm4b:s24+s2] =	stream.linear.scatter [tilespmem:s25], [sflag:$0x2], $0x80, $0x38;
	[tilespmem:$0x1B00] =	vst v63  }
0xf2: {  	s26 =	sadd.s32 $0x180, s10;
	s28 =	simm.s32 $0x1680  }
0xf3: {  	[hbm4b:s26+s2] =	stream.linear.scatter [tilespmem:s28], [sflag:$0x2], $0x80, $0x38;
	[tilespmem:$0x1B00] =	vst v63  }
0xf4: {  	s24 =	sadd.s32 $0x200, s10;
	s25 =	simm.s32 $0x1780  }
0xf5: {  	[hbm4b:s24+s2] =	stream.linear.scatter [tilespmem:s25], [sflag:$0x2], $0x80, $0x38;
	[tilespmem:$0x1B00] =	vst v63  }
0xf6: {  	s26 =	sadd.s32 $0x280, s10;
	s28 =	simm.s32 $0x1880  }
0xf7: {  	[hbm4b:s26+s2] =	stream.linear.scatter [tilespmem:s28], [sflag:$0x2], $0x80, $0x38;
	[tilespmem:$0x1B00] =	vst v63  }
0xf8: {  	s23 =	sadd.s32 $0x300, s10;
	s24 =	simm.s32 $0x1980  }
0xf9: {  	[hbm4b:s23+s2] =	stream.linear.scatter [tilespmem:s24], [sflag:$0x2], $0x80, $0x38;
	[tilespmem:$0x1B00] =	vst v63  }
0xfa: {  	s25 =	sadd.s32 $0x380, s10;
	s26 =	simm.s32 $0x1A80  }
0xfb: {  	[hbm4b:s25+s2] =	stream.linear.scatter [tilespmem:s26], [sflag:$0x2], $0x80, $0x38;
	[tilespmem:$0x1B00] =	vst v63  }
0xfc: {  	_ =	swait.ge [sflag:s20], $0x400  }
0xfd: {  	[sflag:s20] =	ssyncset.done $0x0  }
0xfe: {  	[sflag:s20] =	ssyncadd.s32 $0xFFFFFC00  }
0xff: {  	_ =	swait.ge [sflag:s20], $0x400  }
0x100: {  	s21 =	sadd.s32 $0x1, s21;
	s28 =	rddreg [dreg:$0x4]  }
0x101: {  	p0 =	sne.s32 s21, s28  }
.Ltmp2:
0x102: {  	_ = 	snop;
	(pc) =	sbr.rel @p0 .LBB2_1-.Ltmp2, $3  }
0x103: {  	_ =	sdelay $0x1  }
0x104: {  	[sflag:s20] =	ssyncset.done $0x0  }
0x105: {  	[sflag:s20] =	ssyncadd.s32 $0xFFFFFC00  }
0x106: {  	_ =	sfence.sel $0x180000  }
0x107: {  	[bflag:$0x0] =	sbarrier.arrive $0xFFFF  }
0x108: {  	_ =	strace $0x90000047  }
0x109: {  	s0 =	stileid.u32;
	[bflag:$0x2] =	sbarrier.arrive $0xFFFF  }
0x10a: {  	p0 =	sne.s32 s0, $0x0;
	s0 =	rddreg [dreg:$0x2]  }
0x10b: {  	s0 =	sadd.s32 @!p0 $0x100000, s0  }
0x10c: {  	[sflag:s0] =	ssyncadd.tile.s32 @!p0 $0x1;
	_ =	shalt  }
.Lfunc_end2:
_tile_overlayer_lowered:
.L_overlay_start_2:
0x10d: {  	(tag) =	ssettag $0x2  }
0x10e: {  	s0 =	rddreg [dreg:$0x0];
	s2 =	stileid.u32  }
0x10f: {  	s1 =	rddreg [dreg:$0x1];
	p0 =	sne.s32 s2, $0x0  }
0x110: {  	s3 =	rddreg [dreg:$0x2];
	[bflag:$0x3] =	sbarrier.arrive $0xFFFF;
	s2 =	simm.s32 @!p0 $0x1C03  }
0x111: {  	[timem:s3], [sflag:s2] =	dma.local @!p0 [hbm:s0], s1  }
0x112: {  	s0 =	simm.s32 @!p0 $0x3  }
0x113: {  	_ =	swait.ge @!p0 [sflag:s0], s1  }
0x114: {  	s1 =	ssub.s32 @!p0 $0x0, s1;
	[sflag:s0] =	ssyncset.done @!p0 $0x0  }
0x115: {  	[sflag:s0] =	ssyncadd.s32 @!p0 s1  }
0x116: {  	[bflag:$0x3] =	sbarrier.arrive $0xFFFF  }
0x117: {  	_ =	shalt  }

</sc_bundles>
